<compile_context>
chip_gen: v7x
topology: tpu7x:2x2x1
jax: 0.10.2.dev20260603
libtpu: 0.0.44.dev20260713+nightly
codegen_flags: <defaults>
</compile_context>

<pallas_src>
import jax
import jax.numpy as jnp
from jax import lax
from jax.experimental import pallas as pl
from jax.experimental.pallas import tpu as pltpu
from jax.experimental.pallas import tpu_sc as plsc

B = 16384
D = 32
NC = 2
NS = 16
NW = NC * NS
B_PER_W = B // NW
GCH = 128
NGC = B_PER_W // GCH
L = 16

BLKN = 131072
FBLK = 16384

_MESH = plsc.VectorSubcoreMesh(
    core_axis_name="c", subcore_axis_name="s", num_cores=NC, num_subcores=NS
)


def _matvec_body(tT, wT, out):
    r = jnp.dot(wT[...], tT[...], preferred_element_type=jnp.float32)
    out[...] = r[0, :]


def _score(table, w, blkn):
    n = table.shape[0]
    grid = (n + blkn - 1) // blkn
    return pl.pallas_call(
        _matvec_body,
        grid=(grid,),
        in_specs=[
            pl.BlockSpec((D, blkn), lambda i: (0, i)),
            pl.BlockSpec((1, D), lambda i: (0, 0)),
        ],
        out_specs=pl.BlockSpec((blkn,), lambda i: (i,)),
        out_shape=jax.ShapeDtypeStruct((grid * blkn,), jnp.float32),
    )(table.T, w.T)


def _sc_gather_body(idx_hbm, s_hbm, g_hbm, idx_v, val_v, sem):
    wid = lax.axis_index("s") * NC + lax.axis_index("c")
    base = wid * B_PER_W
    pltpu.sync_copy(idx_hbm.at[pl.ds(base, B_PER_W)], idx_v)
    copies = []
    for j in range(NGC):
        copies.append(
            pltpu.async_copy(
                s_hbm.at[idx_v.at[pl.ds(j * GCH, GCH)]],
                val_v.at[pl.ds(j * GCH, GCH)],
                sem,
            )
        )
    for c in copies:
        c.wait()
    pltpu.sync_copy(val_v, g_hbm.at[pl.ds(base, B_PER_W)])


def _sc_gather(idx, scores):
    return pl.kernel(
        _sc_gather_body,
        out_type=jax.ShapeDtypeStruct((B,), jnp.float32),
        mesh=_MESH,
        scratch_types=[
            pltpu.VMEM((B_PER_W,), jnp.int32),
            pltpu.VMEM((B_PER_W,), jnp.float32),
            pltpu.SemaphoreType.DMA,
        ],
    )(idx, scores)


def _sc_gather_final_body(idx_hbm, s_hbm, gm_hbm, d_hbm, out_hbm,
                          idx_v, val_v, gm_v, d_v, sem, sem2):
    wid = lax.axis_index("s") * NC + lax.axis_index("c")
    base = wid * B_PER_W
    pltpu.sync_copy(idx_hbm.at[pl.ds(base, B_PER_W)], idx_v)
    copies = []
    for j in range(NGC):
        copies.append(
            pltpu.async_copy(
                s_hbm.at[idx_v.at[pl.ds(j * GCH, GCH)]],
                val_v.at[pl.ds(j * GCH, GCH)],
                sem,
            )
        )
    c_gm = pltpu.async_copy(gm_hbm.at[pl.ds(base, B_PER_W)], gm_v, sem2)
    c_d = pltpu.async_copy(d_hbm.at[pl.ds(base, B_PER_W)], d_v, sem2)
    for c in copies:
        c.wait()
    c_gm.wait()
    c_d.wait()
    for k in range(B_PER_W // L):
        s = pl.ds(k * L, L)
        val_v[s] = val_v[s] + gm_v[s] + d_v[s]
    pltpu.sync_copy(val_v, out_hbm.at[pl.ds(base, B_PER_W)])


def _sc_gather_final(idx, scores, gm, d):
    return pl.kernel(
        _sc_gather_final_body,
        out_type=jax.ShapeDtypeStruct((B,), jnp.float32),
        mesh=_MESH,
        scratch_types=[
            pltpu.VMEM((B_PER_W,), jnp.int32),
            pltpu.VMEM((B_PER_W,), jnp.float32),
            pltpu.VMEM((B_PER_W,), jnp.float32),
            pltpu.VMEM((B_PER_W,), jnp.float32),
            pltpu.SemaphoreType.DMA,
            pltpu.SemaphoreType.DMA,
        ],
    )(idx, scores, gm, d)


def _mlp_body(othT, w_hT, b_h2, w_o3T, b_o, out):
    zT = jnp.dot(w_hT[...], othT[...], preferred_element_type=jnp.float32)
    zT = zT + b_h2[...]
    a = jnp.maximum(zT, 0.01 * zT)
    d = jnp.dot(w_o3T[...], a, preferred_element_type=jnp.float32)
    out[...] = d[0, :] + b_o[...]


def _mlp(others_inp, W_h, b_h, W_o, b_o):
    return pl.pallas_call(
        _mlp_body,
        grid=(B // FBLK,),
        in_specs=[
            pl.BlockSpec((64, FBLK), lambda i: (0, i)),
            pl.BlockSpec((64, 64), lambda i: (0, 0)),
            pl.BlockSpec((64, 1), lambda i: (0, 0)),
            pl.BlockSpec((1, 64), lambda i: (0, 0)),
            pl.BlockSpec((1,), lambda i: (0,)),
        ],
        out_specs=pl.BlockSpec((FBLK,), lambda i: (i,)),
        out_shape=jax.ShapeDtypeStruct((B,), jnp.float32),
    )(others_inp.T, W_h.T, b_h.reshape(64, 1), W_o[2 * D:, :].T, b_o)


def kernel(user_inp, movie_inp, others_inp, user_table, movie_table, W_h, b_h, W_o, b_o):
    uin = user_inp
    min_ = movie_inp
    d = _mlp(others_inp, W_h, b_h, W_o, b_o)
    sm = _score(movie_table, W_o[D:2 * D, :], 100000)
    gm = _sc_gather(min_, sm)
    su = _score(user_table, W_o[0:D, :], BLKN)
    out = _sc_gather_final(uin, su, gm, d)
    return out

# --- scband reference (transcript-rebuilt; emitter-appended) ---
"""Pipeline reference for scband-rec-network-80960133529892 (READ-ONLY COPY).

The authoritative reference and input builder live on the scoring server;
editing this copy changes nothing except your own understanding.
"""

import jax, jax.numpy as jnp
import numpy as np

B = 16384
U = 1000000
M = 100000
D = 32
O = 64
H = 64

def setup_inputs(seed: int = 0) -> dict:
    key = jax.random.key(seed)
    ks = jax.random.split(key, 8)
    return {
        "user_inp": jax.random.randint(ks[0], (B,), 0, U, dtype=jnp.int64) if jax.config.jax_enable_x64 else jax.random.randint(ks[0], (B,), 0, U).astype(jnp.int32),
        "movie_inp": jax.random.randint(ks[1], (B,), 0, M).astype(jnp.int32),
        "others_inp": jax.random.normal(ks[2], (B, O), dtype=jnp.float32),
        "user_table": jax.random.normal(ks[3], (U, D), dtype=jnp.float32) * 0.02,
        "movie_table": jax.random.normal(ks[4], (M, D), dtype=jnp.float32) * 0.02,
        "W_h": jax.random.normal(ks[5], (O, H), dtype=jnp.float32) * 0.05,
        "b_h": jnp.zeros((H,), dtype=jnp.float32),
        "W_o": jax.random.normal(ks[6], (2 * D + H, 1), dtype=jnp.float32) * 0.05,
        "b_o": jnp.zeros((1,), dtype=jnp.float32),
    }

def reference(user_inp, movie_inp, others_inp, user_table, movie_table, W_h, b_h, W_o, b_o):
    users_embed = jnp.take(user_table, user_inp, axis=0)
    movies_embed = jnp.take(movie_table, movie_inp, axis=0)
    others_out = jax.nn.leaky_relu(others_inp @ W_h + b_h, negative_slope=0.01)
    x = jnp.concatenate((users_embed, movies_embed, others_out), axis=1)
    x = x @ W_o + b_o
    return x.reshape(-1)

if __name__ == "__main__":
    import jax
    _d = setup_inputs()
    print(jax.jit(kernel)(*tuple(_d.values())))

</pallas_src>

<mosaic_0001>
#map = affine_map<(d0, d1) -> (0)>
module attributes {stable_mosaic.version = 14 : i64} {
  func.func @_sc_gather_final_body(%arg0: i32, %arg1: i32, %arg2: memref<16384xi32, #tpu.memory_space<hbm>>, %arg3: memref<1048576xf32, #tpu.memory_space<hbm>>, %arg4: memref<16384xf32, #tpu.memory_space<hbm>>, %arg5: memref<16384xf32, #tpu.memory_space<hbm>>, %arg6: memref<16384xf32, #tpu.memory_space<hbm>>, %arg7: memref<512xi32, #tpu.memory_space<vmem>>, %arg8: memref<512xf32, #tpu.memory_space<vmem>>, %arg9: memref<512xf32, #tpu.memory_space<vmem>>, %arg10: memref<512xf32, #tpu.memory_space<vmem>>, %arg11: memref<!tpu.dma_semaphore, #tpu.memory_space<semaphore_mem>>, %arg12: memref<!tpu.dma_semaphore, #tpu.memory_space<semaphore_mem>>) attributes {dimension_semantics = [#tpu.dimension_semantics<core_parallel>, #tpu.dimension_semantics<subcore_parallel>], iteration_bounds = array<i64: 2, 16>, scalar_prefetch = 0 : i64, scratch_operands = 6 : i64, tpu.core_type = #tpu.core_type<sc_vector_subcore>, window_params = [{transform_indices = #map}, {transform_indices = #map}, {transform_indices = #map}, {transform_indices = #map}, {transform_indices = #map}]} {
    %mul3A = arith.constant 2 : i32
    %mul3A_0 = arith.muli %arg1, %mul3A : i32
    %add3A = arith.addi %mul3A_0, %arg0 : i32
    %mul3A_1 = arith.constant 512 : i32
    %mul3A_2 = arith.muli %add3A, %mul3A_1 : i32
    "tpu.region"() ({
      %run_scoped3A = tpu.sem_alloc : memref<!tpu.dma_semaphore, #tpu.memory_space<semaphore_mem>>
      %dma_start3A_535 = tpu.memref_slice %arg2[%mul3A_2] : memref<16384xi32, #tpu.memory_space<hbm>> -> memref<512xi32, #tpu.memory_space<hbm>>
      %dma_start3A_536 = tpu.memref_slice %arg2[%mul3A_2] : memref<16384xi32, #tpu.memory_space<hbm>> -> memref<512xi32, #tpu.memory_space<hbm>>
      tpu.enqueue_dma source(%dma_start3A_536 : memref<512xi32, #tpu.memory_space<hbm>>) target(%arg7 : memref<512xi32, #tpu.memory_space<vmem>>) target_semaphore(%run_scoped3A : memref<!tpu.dma_semaphore, #tpu.memory_space<semaphore_mem>>)
      %dma_wait3A_537 = tpu.memref_slice %arg2[%mul3A_2] : memref<16384xi32, #tpu.memory_space<hbm>> -> memref<512xi32, #tpu.memory_space<hbm>>
      %dma_wait3A_538 = tpu.memref_slice %arg2[%mul3A_2] : memref<16384xi32, #tpu.memory_space<hbm>> -> memref<512xi32, #tpu.memory_space<hbm>>
      tpu.wait_dma2 semaphore(%run_scoped3A : memref<!tpu.dma_semaphore, #tpu.memory_space<semaphore_mem>>) src(%dma_wait3A_538 : memref<512xi32, #tpu.memory_space<hbm>>) dst(%arg7 : memref<512xi32, #tpu.memory_space<vmem>>)
      tpu.yield
    }) : () -> ()
    %dma_start3A = arith.constant 0 : i32
    %dma_start3A_3 = tpu.memref_slice %arg8[%dma_start3A] : memref<512xf32, #tpu.memory_space<vmem>> -> memref<128xf32, #tpu.memory_space<vmem>>
    %dma_start3A_4 = arith.constant 0 : i32
    %dma_start3A_5 = tpu.memref_slice %arg7[%dma_start3A_4] : memref<512xi32, #tpu.memory_space<vmem>> -> memref<128xi32, #tpu.memory_space<vmem>>
    %dma_start3A_6 = arith.constant 0 : i32
    %dma_start3A_7 = tpu.memref_slice %arg3[%dma_start3A_6] : memref<1048576xf32, #tpu.memory_space<hbm>> -> memref<1048576xf32, #tpu.memory_space<hbm>>
    tpu.enqueue_indirect_dma source(%dma_start3A_7 : memref<1048576xf32, #tpu.memory_space<hbm>>) target(%dma_start3A_3 : memref<128xf32, #tpu.memory_space<vmem>>) offsets(%dma_start3A_5 : memref<128xi32, #tpu.memory_space<vmem>>) semaphore(%arg11 : memref<!tpu.dma_semaphore, #tpu.memory_space<semaphore_mem>>)
    %dma_start3A_8 = arith.constant 128 : i32
    %dma_start3A_9 = tpu.memref_slice %arg8[%dma_start3A_8] : memref<512xf32, #tpu.memory_space<vmem>> -> memref<128xf32, #tpu.memory_space<vmem>>
    %dma_start3A_10 = arith.constant 128 : i32
    %dma_start3A_11 = tpu.memref_slice %arg7[%dma_start3A_10] : memref<512xi32, #tpu.memory_space<vmem>> -> memref<128xi32, #tpu.memory_space<vmem>>
    %dma_start3A_12 = arith.constant 0 : i32
    %dma_start3A_13 = tpu.memref_slice %arg3[%dma_start3A_12] : memref<1048576xf32, #tpu.memory_space<hbm>> -> memref<1048576xf32, #tpu.memory_space<hbm>>
    tpu.enqueue_indirect_dma source(%dma_start3A_13 : memref<1048576xf32, #tpu.memory_space<hbm>>) target(%dma_start3A_9 : memref<128xf32, #tpu.memory_space<vmem>>) offsets(%dma_start3A_11 : memref<128xi32, #tpu.memory_space<vmem>>) semaphore(%arg11 : memref<!tpu.dma_semaphore, #tpu.memory_space<semaphore_mem>>)
    %dma_start3A_14 = arith.constant 256 : i32
    %dma_start3A_15 = tpu.memref_slice %arg8[%dma_start3A_14] : memref<512xf32, #tpu.memory_space<vmem>> -> memref<128xf32, #tpu.memory_space<vmem>>
    %dma_start3A_16 = arith.constant 256 : i32
    %dma_start3A_17 = tpu.memref_slice %arg7[%dma_start3A_16] : memref<512xi32, #tpu.memory_space<vmem>> -> memref<128xi32, #tpu.memory_space<vmem>>
    %dma_start3A_18 = arith.constant 0 : i32
    %dma_start3A_19 = tpu.memref_slice %arg3[%dma_start3A_18] : memref<1048576xf32, #tpu.memory_space<hbm>> -> memref<1048576xf32, #tpu.memory_space<hbm>>
    tpu.enqueue_indirect_dma source(%dma_start3A_19 : memref<1048576xf32, #tpu.memory_space<hbm>>) target(%dma_start3A_15 : memref<128xf32, #tpu.memory_space<vmem>>) offsets(%dma_start3A_17 : memref<128xi32, #tpu.memory_space<vmem>>) semaphore(%arg11 : memref<!tpu.dma_semaphore, #tpu.memory_space<semaphore_mem>>)
    %dma_start3A_20 = arith.constant 384 : i32
    %dma_start3A_21 = tpu.memref_slice %arg8[%dma_start3A_20] : memref<512xf32, #tpu.memory_space<vmem>> -> memref<128xf32, #tpu.memory_space<vmem>>
    %dma_start3A_22 = arith.constant 384 : i32
    %dma_start3A_23 = tpu.memref_slice %arg7[%dma_start3A_22] : memref<512xi32, #tpu.memory_space<vmem>> -> memref<128xi32, #tpu.memory_space<vmem>>
    %dma_start3A_24 = arith.constant 0 : i32
    %dma_start3A_25 = tpu.memref_slice %arg3[%dma_start3A_24] : memref<1048576xf32, #tpu.memory_space<hbm>> -> memref<1048576xf32, #tpu.memory_space<hbm>>
    tpu.enqueue_indirect_dma source(%dma_start3A_25 : memref<1048576xf32, #tpu.memory_space<hbm>>) target(%dma_start3A_21 : memref<128xf32, #tpu.memory_space<vmem>>) offsets(%dma_start3A_23 : memref<128xi32, #tpu.memory_space<vmem>>) semaphore(%arg11 : memref<!tpu.dma_semaphore, #tpu.memory_space<semaphore_mem>>)
    %dma_start3A_26 = tpu.memref_slice %arg4[%mul3A_2] : memref<16384xf32, #tpu.memory_space<hbm>> -> memref<512xf32, #tpu.memory_space<hbm>>
    %dma_start3A_27 = tpu.memref_slice %arg4[%mul3A_2] : memref<16384xf32, #tpu.memory_space<hbm>> -> memref<512xf32, #tpu.memory_space<hbm>>
    tpu.enqueue_dma source(%dma_start3A_27 : memref<512xf32, #tpu.memory_space<hbm>>) target(%arg9 : memref<512xf32, #tpu.memory_space<vmem>>) target_semaphore(%arg12 : memref<!tpu.dma_semaphore, #tpu.memory_space<semaphore_mem>>)
    %dma_start3A_28 = tpu.memref_slice %arg5[%mul3A_2] : memref<16384xf32, #tpu.memory_space<hbm>> -> memref<512xf32, #tpu.memory_space<hbm>>
    %dma_start3A_29 = tpu.memref_slice %arg5[%mul3A_2] : memref<16384xf32, #tpu.memory_space<hbm>> -> memref<512xf32, #tpu.memory_space<hbm>>
    tpu.enqueue_dma source(%dma_start3A_29 : memref<512xf32, #tpu.memory_space<hbm>>) target(%arg10 : memref<512xf32, #tpu.memory_space<vmem>>) target_semaphore(%arg12 : memref<!tpu.dma_semaphore, #tpu.memory_space<semaphore_mem>>)
    %dma_wait3A = arith.constant 0 : i32
    %dma_wait3A_30 = tpu.memref_slice %arg8[%dma_wait3A] : memref<512xf32, #tpu.memory_space<vmem>> -> memref<128xf32, #tpu.memory_space<vmem>>
    %dma_wait3A_31 = arith.constant 0 : i32
    %dma_wait3A_32 = tpu.memref_slice %arg7[%dma_wait3A_31] : memref<512xi32, #tpu.memory_space<vmem>> -> memref<128xi32, #tpu.memory_space<vmem>>
    %dma_wait3A_33 = arith.constant 0 : i32
    %dma_wait3A_34 = tpu.memref_slice %arg3[%dma_wait3A_33] : memref<1048576xf32, #tpu.memory_space<hbm>> -> memref<1048576xf32, #tpu.memory_space<hbm>>
    tpu.wait_indirect_dma semaphore(%arg11 : memref<!tpu.dma_semaphore, #tpu.memory_space<semaphore_mem>>) src(%dma_wait3A_34 : memref<1048576xf32, #tpu.memory_space<hbm>>) dst(%dma_wait3A_30 : memref<128xf32, #tpu.memory_space<vmem>>)
    %dma_wait3A_35 = arith.constant 128 : i32
    %dma_wait3A_36 = tpu.memref_slice %arg8[%dma_wait3A_35] : memref<512xf32, #tpu.memory_space<vmem>> -> memref<128xf32, #tpu.memory_space<vmem>>
    %dma_wait3A_37 = arith.constant 128 : i32
    %dma_wait3A_38 = tpu.memref_slice %arg7[%dma_wait3A_37] : memref<512xi32, #tpu.memory_space<vmem>> -> memref<128xi32, #tpu.memory_space<vmem>>
    %dma_wait3A_39 = arith.constant 0 : i32
    %dma_wait3A_40 = tpu.memref_slice %arg3[%dma_wait3A_39] : memref<1048576xf32, #tpu.memory_space<hbm>> -> memref<1048576xf32, #tpu.memory_space<hbm>>
    tpu.wait_indirect_dma semaphore(%arg11 : memref<!tpu.dma_semaphore, #tpu.memory_space<semaphore_mem>>) src(%dma_wait3A_40 : memref<1048576xf32, #tpu.memory_space<hbm>>) dst(%dma_wait3A_36 : memref<128xf32, #tpu.memory_space<vmem>>)
    %dma_wait3A_41 = arith.constant 256 : i32
    %dma_wait3A_42 = tpu.memref_slice %arg8[%dma_wait3A_41] : memref<512xf32, #tpu.memory_space<vmem>> -> memref<128xf32, #tpu.memory_space<vmem>>
    %dma_wait3A_43 = arith.constant 256 : i32
    %dma_wait3A_44 = tpu.memref_slice %arg7[%dma_wait3A_43] : memref<512xi32, #tpu.memory_space<vmem>> -> memref<128xi32, #tpu.memory_space<vmem>>
    %dma_wait3A_45 = arith.constant 0 : i32
    %dma_wait3A_46 = tpu.memref_slice %arg3[%dma_wait3A_45] : memref<1048576xf32, #tpu.memory_space<hbm>> -> memref<1048576xf32, #tpu.memory_space<hbm>>
    tpu.wait_indirect_dma semaphore(%arg11 : memref<!tpu.dma_semaphore, #tpu.memory_space<semaphore_mem>>) src(%dma_wait3A_46 : memref<1048576xf32, #tpu.memory_space<hbm>>) dst(%dma_wait3A_42 : memref<128xf32, #tpu.memory_space<vmem>>)
    %dma_wait3A_47 = arith.constant 384 : i32
    %dma_wait3A_48 = tpu.memref_slice %arg8[%dma_wait3A_47] : memref<512xf32, #tpu.memory_space<vmem>> -> memref<128xf32, #tpu.memory_space<vmem>>
    %dma_wait3A_49 = arith.constant 384 : i32
    %dma_wait3A_50 = tpu.memref_slice %arg7[%dma_wait3A_49] : memref<512xi32, #tpu.memory_space<vmem>> -> memref<128xi32, #tpu.memory_space<vmem>>
    %dma_wait3A_51 = arith.constant 0 : i32
    %dma_wait3A_52 = tpu.memref_slice %arg3[%dma_wait3A_51] : memref<1048576xf32, #tpu.memory_space<hbm>> -> memref<1048576xf32, #tpu.memory_space<hbm>>
    tpu.wait_indirect_dma semaphore(%arg11 : memref<!tpu.dma_semaphore, #tpu.memory_space<semaphore_mem>>) src(%dma_wait3A_52 : memref<1048576xf32, #tpu.memory_space<hbm>>) dst(%dma_wait3A_48 : memref<128xf32, #tpu.memory_space<vmem>>)
    %dma_wait3A_53 = tpu.memref_slice %arg4[%mul3A_2] : memref<16384xf32, #tpu.memory_space<hbm>> -> memref<512xf32, #tpu.memory_space<hbm>>
    %dma_wait3A_54 = tpu.memref_slice %arg4[%mul3A_2] : memref<16384xf32, #tpu.memory_space<hbm>> -> memref<512xf32, #tpu.memory_space<hbm>>
    tpu.wait_dma2 semaphore(%arg12 : memref<!tpu.dma_semaphore, #tpu.memory_space<semaphore_mem>>) src(%dma_wait3A_54 : memref<512xf32, #tpu.memory_space<hbm>>) dst(%arg9 : memref<512xf32, #tpu.memory_space<vmem>>)
    %dma_wait3A_55 = tpu.memref_slice %arg5[%mul3A_2] : memref<16384xf32, #tpu.memory_space<hbm>> -> memref<512xf32, #tpu.memory_space<hbm>>
    %dma_wait3A_56 = tpu.memref_slice %arg5[%mul3A_2] : memref<16384xf32, #tpu.memory_space<hbm>> -> memref<512xf32, #tpu.memory_space<hbm>>
    tpu.wait_dma2 semaphore(%arg12 : memref<!tpu.dma_semaphore, #tpu.memory_space<semaphore_mem>>) src(%dma_wait3A_56 : memref<512xf32, #tpu.memory_space<hbm>>) dst(%arg10 : memref<512xf32, #tpu.memory_space<vmem>>)
    %get3A = arith.constant 0 : index
    %get3A_57 = tpu.vector_load %arg8[%get3A] {strides = array<i32>} : memref<512xf32, #tpu.memory_space<vmem>>, vector<16xf32>,
    %get3A_58 = vector.shape_cast %get3A_57 : vector<16xf32> to vector<16xf32>
    %get3A_59 = arith.constant 0 : index
    %get3A_60 = tpu.vector_load %arg9[%get3A_59] {strides = array<i32>} : memref<512xf32, #tpu.memory_space<vmem>>, vector<16xf32>,
    %get3A_61 = vector.shape_cast %get3A_60 : vector<16xf32> to vector<16xf32>
    %add3A_62 = arith.addf %get3A_58, %get3A_61 : vector<16xf32>
    %get3A_63 = arith.constant 0 : index
    %get3A_64 = tpu.vector_load %arg10[%get3A_63] {strides = array<i32>} : memref<512xf32, #tpu.memory_space<vmem>>, vector<16xf32>,
    %get3A_65 = vector.shape_cast %get3A_64 : vector<16xf32> to vector<16xf32>
    %add3A_66 = arith.addf %add3A_62, %get3A_65 : vector<16xf32>
    %swap3A = arith.constant 0 : index
    %swap3A_67 = tpu.vector_load %arg8[%swap3A] {strides = array<i32>} : memref<512xf32, #tpu.memory_space<vmem>>, vector<16xf32>,
    %swap3A_68 = vector.shape_cast %swap3A_67 : vector<16xf32> to vector<16xf32>
    %swap3A_69 = vector.shape_cast %add3A_66 : vector<16xf32> to vector<16xf32>
    tpu.vector_store %arg8[%swap3A], %swap3A_69 {strides = array<i32>} : memref<512xf32, #tpu.memory_space<vmem>>, vector<16xf32>,
    %get3A_70 = arith.constant 16 : index
    %get3A_71 = tpu.vector_load %arg8[%get3A_70] {strides = array<i32>} : memref<512xf32, #tpu.memory_space<vmem>>, vector<16xf32>,
    %get3A_72 = vector.shape_cast %get3A_71 : vector<16xf32> to vector<16xf32>
    %get3A_73 = arith.constant 16 : index
    %get3A_74 = tpu.vector_load %arg9[%get3A_73] {strides = array<i32>} : memref<512xf32, #tpu.memory_space<vmem>>, vector<16xf32>,
    %get3A_75 = vector.shape_cast %get3A_74 : vector<16xf32> to vector<16xf32>
    %add3A_76 = arith.addf %get3A_72, %get3A_75 : vector<16xf32>
    %get3A_77 = arith.constant 16 : index
    %get3A_78 = tpu.vector_load %arg10[%get3A_77] {strides = array<i32>} : memref<512xf32, #tpu.memory_space<vmem>>, vector<16xf32>,
    %get3A_79 = vector.shape_cast %get3A_78 : vector<16xf32> to vector<16xf32>
    %add3A_80 = arith.addf %add3A_76, %get3A_79 : vector<16xf32>
    %swap3A_81 = arith.constant 16 : index
    %swap3A_82 = tpu.vector_load %arg8[%swap3A_81] {strides = array<i32>} : memref<512xf32, #tpu.memory_space<vmem>>, vector<16xf32>,
    %swap3A_83 = vector.shape_cast %swap3A_82 : vector<16xf32> to vector<16xf32>
    %swap3A_84 = vector.shape_cast %add3A_80 : vector<16xf32> to vector<16xf32>
    tpu.vector_store %arg8[%swap3A_81], %swap3A_84 {strides = array<i32>} : memref<512xf32, #tpu.memory_space<vmem>>, vector<16xf32>,
    %get3A_85 = arith.constant 32 : index
    %get3A_86 = tpu.vector_load %arg8[%get3A_85] {strides = array<i32>} : memref<512xf32, #tpu.memory_space<vmem>>, vector<16xf32>,
    %get3A_87 = vector.shape_cast %get3A_86 : vector<16xf32> to vector<16xf32>
    %get3A_88 = arith.constant 32 : index
    %get3A_89 = tpu.vector_load %arg9[%get3A_88] {strides = array<i32>} : memref<512xf32, #tpu.memory_space<vmem>>, vector<16xf32>,
    %get3A_90 = vector.shape_cast %get3A_89 : vector<16xf32> to vector<16xf32>
    %add3A_91 = arith.addf %get3A_87, %get3A_90 : vector<16xf32>
    %get3A_92 = arith.constant 32 : index
    %get3A_93 = tpu.vector_load %arg10[%get3A_92] {strides = array<i32>} : memref<512xf32, #tpu.memory_space<vmem>>, vector<16xf32>,
    %get3A_94 = vector.shape_cast %get3A_93 : vector<16xf32> to vector<16xf32>
    %add3A_95 = arith.addf %add3A_91, %get3A_94 : vector<16xf32>
    %swap3A_96 = arith.constant 32 : index
    %swap3A_97 = tpu.vector_load %arg8[%swap3A_96] {strides = array<i32>} : memref<512xf32, #tpu.memory_space<vmem>>, vector<16xf32>,
    %swap3A_98 = vector.shape_cast %swap3A_97 : vector<16xf32> to vector<16xf32>
    %swap3A_99 = vector.shape_cast %add3A_95 : vector<16xf32> to vector<16xf32>
    tpu.vector_store %arg8[%swap3A_96], %swap3A_99 {strides = array<i32>} : memref<512xf32, #tpu.memory_space<vmem>>, vector<16xf32>,
    %get3A_100 = arith.constant 48 : index
    %get3A_101 = tpu.vector_load %arg8[%get3A_100] {strides = array<i32>} : memref<512xf32, #tpu.memory_space<vmem>>, vector<16xf32>,
    %get3A_102 = vector.shape_cast %get3A_101 : vector<16xf32> to vector<16xf32>
    %get3A_103 = arith.constant 48 : index
    %get3A_104 = tpu.vector_load %arg9[%get3A_103] {strides = array<i32>} : memref<512xf32, #tpu.memory_space<vmem>>, vector<16xf32>,
    %get3A_105 = vector.shape_cast %get3A_104 : vector<16xf32> to vector<16xf32>
    %add3A_106 = arith.addf %get3A_102, %get3A_105 : vector<16xf32>
    %get3A_107 = arith.constant 48 : index
    %get3A_108 = tpu.vector_load %arg10[%get3A_107] {strides = array<i32>} : memref<512xf32, #tpu.memory_space<vmem>>, vector<16xf32>,
    %get3A_109 = vector.shape_cast %get3A_108 : vector<16xf32> to vector<16xf32>
    %add3A_110 = arith.addf %add3A_106, %get3A_109 : vector<16xf32>
    %swap3A_111 = arith.constant 48 : index
    %swap3A_112 = tpu.vector_load %arg8[%swap3A_111] {strides = array<i32>} : memref<512xf32, #tpu.memory_space<vmem>>, vector<16xf32>,
    %swap3A_113 = vector.shape_cast %swap3A_112 : vector<16xf32> to vector<16xf32>
    %swap3A_114 = vector.shape_cast %add3A_110 : vector<16xf32> to vector<16xf32>
    tpu.vector_store %arg8[%swap3A_111], %swap3A_114 {strides = array<i32>} : memref<512xf32, #tpu.memory_space<vmem>>, vector<16xf32>,
    %get3A_115 = arith.constant 64 : index
    %get3A_116 = tpu.vector_load %arg8[%get3A_115] {strides = array<i32>} : memref<512xf32, #tpu.memory_space<vmem>>, vector<16xf32>,
    %get3A_117 = vector.shape_cast %get3A_116 : vector<16xf32> to vector<16xf32>
    %get3A_118 = arith.constant 64 : index
    %get3A_119 = tpu.vector_load %arg9[%get3A_118] {strides = array<i32>} : memref<512xf32, #tpu.memory_space<vmem>>, vector<16xf32>,
    %get3A_120 = vector.shape_cast %get3A_119 : vector<16xf32> to vector<16xf32>
    %add3A_121 = arith.addf %get3A_117, %get3A_120 : vector<16xf32>
    %get3A_122 = arith.constant 64 : index
    %get3A_123 = tpu.vector_load %arg10[%get3A_122] {strides = array<i32>} : memref<512xf32, #tpu.memory_space<vmem>>, vector<16xf32>,
    %get3A_124 = vector.shape_cast %get3A_123 : vector<16xf32> to vector<16xf32>
    %add3A_125 = arith.addf %add3A_121, %get3A_124 : vector<16xf32>
    %swap3A_126 = arith.constant 64 : index
    %swap3A_127 = tpu.vector_load %arg8[%swap3A_126] {strides = array<i32>} : memref<512xf32, #tpu.memory_space<vmem>>, vector<16xf32>,
    %swap3A_128 = vector.shape_cast %swap3A_127 : vector<16xf32> to vector<16xf32>
    %swap3A_129 = vector.shape_cast %add3A_125 : vector<16xf32> to vector<16xf32>
    tpu.vector_store %arg8[%swap3A_126], %swap3A_129 {strides = array<i32>} : memref<512xf32, #tpu.memory_space<vmem>>, vector<16xf32>,
    %get3A_130 = arith.constant 80 : index
    %get3A_131 = tpu.vector_load %arg8[%get3A_130] {strides = array<i32>} : memref<512xf32, #tpu.memory_space<vmem>>, vector<16xf32>,
    %get3A_132 = vector.shape_cast %get3A_131 : vector<16xf32> to vector<16xf32>
    %get3A_133 = arith.constant 80 : index
    %get3A_134 = tpu.vector_load %arg9[%get3A_133] {strides = array<i32>} : memref<512xf32, #tpu.memory_space<vmem>>, vector<16xf32>,
    %get3A_135 = vector.shape_cast %get3A_134 : vector<16xf32> to vector<16xf32>
    %add3A_136 = arith.addf %get3A_132, %get3A_135 : vector<16xf32>
    %get3A_137 = arith.constant 80 : index
    %get3A_138 = tpu.vector_load %arg10[%get3A_137] {strides = array<i32>} : memref<512xf32, #tpu.memory_space<vmem>>, vector<16xf32>,
    %get3A_139 = vector.shape_cast %get3A_138 : vector<16xf32> to vector<16xf32>
    %add3A_140 = arith.addf %add3A_136, %get3A_139 : vector<16xf32>
    %swap3A_141 = arith.constant 80 : index
    %swap3A_142 = tpu.vector_load %arg8[%swap3A_141] {strides = array<i32>} : memref<512xf32, #tpu.memory_space<vmem>>, vector<16xf32>,
    %swap3A_143 = vector.shape_cast %swap3A_142 : vector<16xf32> to vector<16xf32>
    %swap3A_144 = vector.shape_cast %add3A_140 : vector<16xf32> to vector<16xf32>
    tpu.vector_store %arg8[%swap3A_141], %swap3A_144 {strides = array<i32>} : memref<512xf32, #tpu.memory_space<vmem>>, vector<16xf32>,
    %get3A_145 = arith.constant 96 : index
    %get3A_146 = tpu.vector_load %arg8[%get3A_145] {strides = array<i32>} : memref<512xf32, #tpu.memory_space<vmem>>, vector<16xf32>,
    %get3A_147 = vector.shape_cast %get3A_146 : vector<16xf32> to vector<16xf32>
    %get3A_148 = arith.constant 96 : index
    %get3A_149 = tpu.vector_load %arg9[%get3A_148] {strides = array<i32>} : memref<512xf32, #tpu.memory_space<vmem>>, vector<16xf32>,
    %get3A_150 = vector.shape_cast %get3A_149 : vector<16xf32> to vector<16xf32>
    %add3A_151 = arith.addf %get3A_147, %get3A_150 : vector<16xf32>
    %get3A_152 = arith.constant 96 : index
    %get3A_153 = tpu.vector_load %arg10[%get3A_152] {strides = array<i32>} : memref<512xf32, #tpu.memory_space<vmem>>, vector<16xf32>,
    %get3A_154 = vector.shape_cast %get3A_153 : vector<16xf32> to vector<16xf32>
    %add3A_155 = arith.addf %add3A_151, %get3A_154 : vector<16xf32>
    %swap3A_156 = arith.constant 96 : index
    %swap3A_157 = tpu.vector_load %arg8[%swap3A_156] {strides = array<i32>} : memref<512xf32, #tpu.memory_space<vmem>>, vector<16xf32>,
    %swap3A_158 = vector.shape_cast %swap3A_157 : vector<16xf32> to vector<16xf32>
    %swap3A_159 = vector.shape_cast %add3A_155 : vector<16xf32> to vector<16xf32>
    tpu.vector_store %arg8[%swap3A_156], %swap3A_159 {strides = array<i32>} : memref<512xf32, #tpu.memory_space<vmem>>, vector<16xf32>,
    %get3A_160 = arith.constant 112 : index
    %get3A_161 = tpu.vector_load %arg8[%get3A_160] {strides = array<i32>} : memref<512xf32, #tpu.memory_space<vmem>>, vector<16xf32>,
    %get3A_162 = vector.shape_cast %get3A_161 : vector<16xf32> to vector<16xf32>
    %get3A_163 = arith.constant 112 : index
    %get3A_164 = tpu.vector_load %arg9[%get3A_163] {strides = array<i32>} : memref<512xf32, #tpu.memory_space<vmem>>, vector<16xf32>,
    %get3A_165 = vector.shape_cast %get3A_164 : vector<16xf32> to vector<16xf32>
    %add3A_166 = arith.addf %get3A_162, %get3A_165 : vector<16xf32>
    %get3A_167 = arith.constant 112 : index
    %get3A_168 = tpu.vector_load %arg10[%get3A_167] {strides = array<i32>} : memref<512xf32, #tpu.memory_space<vmem>>, vector<16xf32>,
    %get3A_169 = vector.shape_cast %get3A_168 : vector<16xf32> to vector<16xf32>
    %add3A_170 = arith.addf %add3A_166, %get3A_169 : vector<16xf32>
    %swap3A_171 = arith.constant 112 : index
    %swap3A_172 = tpu.vector_load %arg8[%swap3A_171] {strides = array<i32>} : memref<512xf32, #tpu.memory_space<vmem>>, vector<16xf32>,
    %swap3A_173 = vector.shape_cast %swap3A_172 : vector<16xf32> to vector<16xf32>
    %swap3A_174 = vector.shape_cast %add3A_170 : vector<16xf32> to vector<16xf32>
    tpu.vector_store %arg8[%swap3A_171], %swap3A_174 {strides = array<i32>} : memref<512xf32, #tpu.memory_space<vmem>>, vector<16xf32>,
    %get3A_175 = arith.constant 128 : index
    %get3A_176 = tpu.vector_load %arg8[%get3A_175] {strides = array<i32>} : memref<512xf32, #tpu.memory_space<vmem>>, vector<16xf32>,
    %get3A_177 = vector.shape_cast %get3A_176 : vector<16xf32> to vector<16xf32>
    %get3A_178 = arith.constant 128 : index
    %get3A_179 = tpu.vector_load %arg9[%get3A_178] {strides = array<i32>} : memref<512xf32, #tpu.memory_space<vmem>>, vector<16xf32>,
    %get3A_180 = vector.shape_cast %get3A_179 : vector<16xf32> to vector<16xf32>
    %add3A_181 = arith.addf %get3A_177, %get3A_180 : vector<16xf32>
    %get3A_182 = arith.constant 128 : index
    %get3A_183 = tpu.vector_load %arg10[%get3A_182] {strides = array<i32>} : memref<512xf32, #tpu.memory_space<vmem>>, vector<16xf32>,
    %get3A_184 = vector.shape_cast %get3A_183 : vector<16xf32> to vector<16xf32>
    %add3A_185 = arith.addf %add3A_181, %get3A_184 : vector<16xf32>
    %swap3A_186 = arith.constant 128 : index
    %swap3A_187 = tpu.vector_load %arg8[%swap3A_186] {strides = array<i32>} : memref<512xf32, #tpu.memory_space<vmem>>, vector<16xf32>,
    %swap3A_188 = vector.shape_cast %swap3A_187 : vector<16xf32> to vector<16xf32>
    %swap3A_189 = vector.shape_cast %add3A_185 : vector<16xf32> to vector<16xf32>
    tpu.vector_store %arg8[%swap3A_186], %swap3A_189 {strides = array<i32>} : memref<512xf32, #tpu.memory_space<vmem>>, vector<16xf32>,
    %get3A_190 = arith.constant 144 : index
    %get3A_191 = tpu.vector_load %arg8[%get3A_190] {strides = array<i32>} : memref<512xf32, #tpu.memory_space<vmem>>, vector<16xf32>,
    %get3A_192 = vector.shape_cast %get3A_191 : vector<16xf32> to vector<16xf32>
    %get3A_193 = arith.constant 144 : index
    %get3A_194 = tpu.vector_load %arg9[%get3A_193] {strides = array<i32>} : memref<512xf32, #tpu.memory_space<vmem>>, vector<16xf32>,
    %get3A_195 = vector.shape_cast %get3A_194 : vector<16xf32> to vector<16xf32>
    %add3A_196 = arith.addf %get3A_192, %get3A_195 : vector<16xf32>
    %get3A_197 = arith.constant 144 : index
    %get3A_198 = tpu.vector_load %arg10[%get3A_197] {strides = array<i32>} : memref<512xf32, #tpu.memory_space<vmem>>, vector<16xf32>,
    %get3A_199 = vector.shape_cast %get3A_198 : vector<16xf32> to vector<16xf32>
    %add3A_200 = arith.addf %add3A_196, %get3A_199 : vector<16xf32>
    %swap3A_201 = arith.constant 144 : index
    %swap3A_202 = tpu.vector_load %arg8[%swap3A_201] {strides = array<i32>} : memref<512xf32, #tpu.memory_space<vmem>>, vector<16xf32>,
    %swap3A_203 = vector.shape_cast %swap3A_202 : vector<16xf32> to vector<16xf32>
    %swap3A_204 = vector.shape_cast %add3A_200 : vector<16xf32> to vector<16xf32>
    tpu.vector_store %arg8[%swap3A_201], %swap3A_204 {strides = array<i32>} : memref<512xf32, #tpu.memory_space<vmem>>, vector<16xf32>,
    %get3A_205 = arith.constant 160 : index
    %get3A_206 = tpu.vector_load %arg8[%get3A_205] {strides = array<i32>} : memref<512xf32, #tpu.memory_space<vmem>>, vector<16xf32>,
    %get3A_207 = vector.shape_cast %get3A_206 : vector<16xf32> to vector<16xf32>
    %get3A_208 = arith.constant 160 : index
    %get3A_209 = tpu.vector_load %arg9[%get3A_208] {strides = array<i32>} : memref<512xf32, #tpu.memory_space<vmem>>, vector<16xf32>,
    %get3A_210 = vector.shape_cast %get3A_209 : vector<16xf32> to vector<16xf32>
    %add3A_211 = arith.addf %get3A_207, %get3A_210 : vector<16xf32>
    %get3A_212 = arith.constant 160 : index
    %get3A_213 = tpu.vector_load %arg10[%get3A_212] {strides = array<i32>} : memref<512xf32, #tpu.memory_space<vmem>>, vector<16xf32>,
    %get3A_214 = vector.shape_cast %get3A_213 : vector<16xf32> to vector<16xf32>
    %add3A_215 = arith.addf %add3A_211, %get3A_214 : vector<16xf32>
    %swap3A_216 = arith.constant 160 : index
    %swap3A_217 = tpu.vector_load %arg8[%swap3A_216] {strides = array<i32>} : memref<512xf32, #tpu.memory_space<vmem>>, vector<16xf32>,
    %swap3A_218 = vector.shape_cast %swap3A_217 : vector<16xf32> to vector<16xf32>
    %swap3A_219 = vector.shape_cast %add3A_215 : vector<16xf32> to vector<16xf32>
    tpu.vector_store %arg8[%swap3A_216], %swap3A_219 {strides = array<i32>} : memref<512xf32, #tpu.memory_space<vmem>>, vector<16xf32>,
    %get3A_220 = arith.constant 176 : index
    %get3A_221 = tpu.vector_load %arg8[%get3A_220] {strides = array<i32>} : memref<512xf32, #tpu.memory_space<vmem>>, vector<16xf32>,
    %get3A_222 = vector.shape_cast %get3A_221 : vector<16xf32> to vector<16xf32>
    %get3A_223 = arith.constant 176 : index
    %get3A_224 = tpu.vector_load %arg9[%get3A_223] {strides = array<i32>} : memref<512xf32, #tpu.memory_space<vmem>>, vector<16xf32>,
    %get3A_225 = vector.shape_cast %get3A_224 : vector<16xf32> to vector<16xf32>
    %add3A_226 = arith.addf %get3A_222, %get3A_225 : vector<16xf32>
    %get3A_227 = arith.constant 176 : index
    %get3A_228 = tpu.vector_load %arg10[%get3A_227] {strides = array<i32>} : memref<512xf32, #tpu.memory_space<vmem>>, vector<16xf32>,
    %get3A_229 = vector.shape_cast %get3A_228 : vector<16xf32> to vector<16xf32>
    %add3A_230 = arith.addf %add3A_226, %get3A_229 : vector<16xf32>
    %swap3A_231 = arith.constant 176 : index
    %swap3A_232 = tpu.vector_load %arg8[%swap3A_231] {strides = array<i32>} : memref<512xf32, #tpu.memory_space<vmem>>, vector<16xf32>,
    %swap3A_233 = vector.shape_cast %swap3A_232 : vector<16xf32> to vector<16xf32>
    %swap3A_234 = vector.shape_cast %add3A_230 : vector<16xf32> to vector<16xf32>
    tpu.vector_store %arg8[%swap3A_231], %swap3A_234 {strides = array<i32>} : memref<512xf32, #tpu.memory_space<vmem>>, vector<16xf32>,
    %get3A_235 = arith.constant 192 : index
    %get3A_236 = tpu.vector_load %arg8[%get3A_235] {strides = array<i32>} : memref<512xf32, #tpu.memory_space<vmem>>, vector<16xf32>,
    %get3A_237 = vector.shape_cast %get3A_236 : vector<16xf32> to vector<16xf32>
    %get3A_238 = arith.constant 192 : index
    %get3A_239 = tpu.vector_load %arg9[%get3A_238] {strides = array<i32>} : memref<512xf32, #tpu.memory_space<vmem>>, vector<16xf32>,
    %get3A_240 = vector.shape_cast %get3A_239 : vector<16xf32> to vector<16xf32>
    %add3A_241 = arith.addf %get3A_237, %get3A_240 : vector<16xf32>
    %get3A_242 = arith.constant 192 : index
    %get3A_243 = tpu.vector_load %arg10[%get3A_242] {strides = array<i32>} : memref<512xf32, #tpu.memory_space<vmem>>, vector<16xf32>,
    %get3A_244 = vector.shape_cast %get3A_243 : vector<16xf32> to vector<16xf32>
    %add3A_245 = arith.addf %add3A_241, %get3A_244 : vector<16xf32>
    %swap3A_246 = arith.constant 192 : index
    %swap3A_247 = tpu.vector_load %arg8[%swap3A_246] {strides = array<i32>} : memref<512xf32, #tpu.memory_space<vmem>>, vector<16xf32>,
    %swap3A_248 = vector.shape_cast %swap3A_247 : vector<16xf32> to vector<16xf32>
    %swap3A_249 = vector.shape_cast %add3A_245 : vector<16xf32> to vector<16xf32>
    tpu.vector_store %arg8[%swap3A_246], %swap3A_249 {strides = array<i32>} : memref<512xf32, #tpu.memory_space<vmem>>, vector<16xf32>,
    %get3A_250 = arith.constant 208 : index
    %get3A_251 = tpu.vector_load %arg8[%get3A_250] {strides = array<i32>} : memref<512xf32, #tpu.memory_space<vmem>>, vector<16xf32>,
    %get3A_252 = vector.shape_cast %get3A_251 : vector<16xf32> to vector<16xf32>
    %get3A_253 = arith.constant 208 : index
    %get3A_254 = tpu.vector_load %arg9[%get3A_253] {strides = array<i32>} : memref<512xf32, #tpu.memory_space<vmem>>, vector<16xf32>,
    %get3A_255 = vector.shape_cast %get3A_254 : vector<16xf32> to vector<16xf32>
    %add3A_256 = arith.addf %get3A_252, %get3A_255 : vector<16xf32>
    %get3A_257 = arith.constant 208 : index
    %get3A_258 = tpu.vector_load %arg10[%get3A_257] {strides = array<i32>} : memref<512xf32, #tpu.memory_space<vmem>>, vector<16xf32>,
    %get3A_259 = vector.shape_cast %get3A_258 : vector<16xf32> to vector<16xf32>
    %add3A_260 = arith.addf %add3A_256, %get3A_259 : vector<16xf32>
    %swap3A_261 = arith.constant 208 : index
    %swap3A_262 = tpu.vector_load %arg8[%swap3A_261] {strides = array<i32>} : memref<512xf32, #tpu.memory_space<vmem>>, vector<16xf32>,
    %swap3A_263 = vector.shape_cast %swap3A_262 : vector<16xf32> to vector<16xf32>
    %swap3A_264 = vector.shape_cast %add3A_260 : vector<16xf32> to vector<16xf32>
    tpu.vector_store %arg8[%swap3A_261], %swap3A_264 {strides = array<i32>} : memref<512xf32, #tpu.memory_space<vmem>>, vector<16xf32>,
    %get3A_265 = arith.constant 224 : index
    %get3A_266 = tpu.vector_load %arg8[%get3A_265] {strides = array<i32>} : memref<512xf32, #tpu.memory_space<vmem>>, vector<16xf32>,
    %get3A_267 = vector.shape_cast %get3A_266 : vector<16xf32> to vector<16xf32>
    %get3A_268 = arith.constant 224 : index
    %get3A_269 = tpu.vector_load %arg9[%get3A_268] {strides = array<i32>} : memref<512xf32, #tpu.memory_space<vmem>>, vector<16xf32>,
    %get3A_270 = vector.shape_cast %get3A_269 : vector<16xf32> to vector<16xf32>
    %add3A_271 = arith.addf %get3A_267, %get3A_270 : vector<16xf32>
    %get3A_272 = arith.constant 224 : index
    %get3A_273 = tpu.vector_load %arg10[%get3A_272] {strides = array<i32>} : memref<512xf32, #tpu.memory_space<vmem>>, vector<16xf32>,
    %get3A_274 = vector.shape_cast %get3A_273 : vector<16xf32> to vector<16xf32>
    %add3A_275 = arith.addf %add3A_271, %get3A_274 : vector<16xf32>
    %swap3A_276 = arith.constant 224 : index
    %swap3A_277 = tpu.vector_load %arg8[%swap3A_276] {strides = array<i32>} : memref<512xf32, #tpu.memory_space<vmem>>, vector<16xf32>,
    %swap3A_278 = vector.shape_cast %swap3A_277 : vector<16xf32> to vector<16xf32>
    %swap3A_279 = vector.shape_cast %add3A_275 : vector<16xf32> to vector<16xf32>
    tpu.vector_store %arg8[%swap3A_276], %swap3A_279 {strides = array<i32>} : memref<512xf32, #tpu.memory_space<vmem>>, vector<16xf32>,
    %get3A_280 = arith.constant 240 : index
    %get3A_281 = tpu.vector_load %arg8[%get3A_280] {strides = array<i32>} : memref<512xf32, #tpu.memory_space<vmem>>, vector<16xf32>,
    %get3A_282 = vector.shape_cast %get3A_281 : vector<16xf32> to vector<16xf32>
    %get3A_283 = arith.constant 240 : index
    %get3A_284 = tpu.vector_load %arg9[%get3A_283] {strides = array<i32>} : memref<512xf32, #tpu.memory_space<vmem>>, vector<16xf32>,
    %get3A_285 = vector.shape_cast %get3A_284 : vector<16xf32> to vector<16xf32>
    %add3A_286 = arith.addf %get3A_282, %get3A_285 : vector<16xf32>
    %get3A_287 = arith.constant 240 : index
    %get3A_288 = tpu.vector_load %arg10[%get3A_287] {strides = array<i32>} : memref<512xf32, #tpu.memory_space<vmem>>, vector<16xf32>,
    %get3A_289 = vector.shape_cast %get3A_288 : vector<16xf32> to vector<16xf32>
    %add3A_290 = arith.addf %add3A_286, %get3A_289 : vector<16xf32>
    %swap3A_291 = arith.constant 240 : index
    %swap3A_292 = tpu.vector_load %arg8[%swap3A_291] {strides = array<i32>} : memref<512xf32, #tpu.memory_space<vmem>>, vector<16xf32>,
    %swap3A_293 = vector.shape_cast %swap3A_292 : vector<16xf32> to vector<16xf32>
    %swap3A_294 = vector.shape_cast %add3A_290 : vector<16xf32> to vector<16xf32>
    tpu.vector_store %arg8[%swap3A_291], %swap3A_294 {strides = array<i32>} : memref<512xf32, #tpu.memory_space<vmem>>, vector<16xf32>,
    %get3A_295 = arith.constant 256 : index
    %get3A_296 = tpu.vector_load %arg8[%get3A_295] {strides = array<i32>} : memref<512xf32, #tpu.memory_space<vmem>>, vector<16xf32>,
    %get3A_297 = vector.shape_cast %get3A_296 : vector<16xf32> to vector<16xf32>
    %get3A_298 = arith.constant 256 : index
    %get3A_299 = tpu.vector_load %arg9[%get3A_298] {strides = array<i32>} : memref<512xf32, #tpu.memory_space<vmem>>, vector<16xf32>,
    %get3A_300 = vector.shape_cast %get3A_299 : vector<16xf32> to vector<16xf32>
    %add3A_301 = arith.addf %get3A_297, %get3A_300 : vector<16xf32>
    %get3A_302 = arith.constant 256 : index
    %get3A_303 = tpu.vector_load %arg10[%get3A_302] {strides = array<i32>} : memref<512xf32, #tpu.memory_space<vmem>>, vector<16xf32>,
    %get3A_304 = vector.shape_cast %get3A_303 : vector<16xf32> to vector<16xf32>
    %add3A_305 = arith.addf %add3A_301, %get3A_304 : vector<16xf32>
    %swap3A_306 = arith.constant 256 : index
    %swap3A_307 = tpu.vector_load %arg8[%swap3A_306] {strides = array<i32>} : memref<512xf32, #tpu.memory_space<vmem>>, vector<16xf32>,
    %swap3A_308 = vector.shape_cast %swap3A_307 : vector<16xf32> to vector<16xf32>
    %swap3A_309 = vector.shape_cast %add3A_305 : vector<16xf32> to vector<16xf32>
    tpu.vector_store %arg8[%swap3A_306], %swap3A_309 {strides = array<i32>} : memref<512xf32, #tpu.memory_space<vmem>>, vector<16xf32>,
    %get3A_310 = arith.constant 272 : index
    %get3A_311 = tpu.vector_load %arg8[%get3A_310] {strides = array<i32>} : memref<512xf32, #tpu.memory_space<vmem>>, vector<16xf32>,
    %get3A_312 = vector.shape_cast %get3A_311 : vector<16xf32> to vector<16xf32>
    %get3A_313 = arith.constant 272 : index
    %get3A_314 = tpu.vector_load %arg9[%get3A_313] {strides = array<i32>} : memref<512xf32, #tpu.memory_space<vmem>>, vector<16xf32>,
    %get3A_315 = vector.shape_cast %get3A_314 : vector<16xf32> to vector<16xf32>
    %add3A_316 = arith.addf %get3A_312, %get3A_315 : vector<16xf32>
    %get3A_317 = arith.constant 272 : index
    %get3A_318 = tpu.vector_load %arg10[%get3A_317] {strides = array<i32>} : memref<512xf32, #tpu.memory_space<vmem>>, vector<16xf32>,
    %get3A_319 = vector.shape_cast %get3A_318 : vector<16xf32> to vector<16xf32>
    %add3A_320 = arith.addf %add3A_316, %get3A_319 : vector<16xf32>
    %swap3A_321 = arith.constant 272 : index
    %swap3A_322 = tpu.vector_load %arg8[%swap3A_321] {strides = array<i32>} : memref<512xf32, #tpu.memory_space<vmem>>, vector<16xf32>,
    %swap3A_323 = vector.shape_cast %swap3A_322 : vector<16xf32> to vector<16xf32>
    %swap3A_324 = vector.shape_cast %add3A_320 : vector<16xf32> to vector<16xf32>
    tpu.vector_store %arg8[%swap3A_321], %swap3A_324 {strides = array<i32>} : memref<512xf32, #tpu.memory_space<vmem>>, vector<16xf32>,
    %get3A_325 = arith.constant 288 : index
    %get3A_326 = tpu.vector_load %arg8[%get3A_325] {strides = array<i32>} : memref<512xf32, #tpu.memory_space<vmem>>, vector<16xf32>,
    %get3A_327 = vector.shape_cast %get3A_326 : vector<16xf32> to vector<16xf32>
    %get3A_328 = arith.constant 288 : index
    %get3A_329 = tpu.vector_load %arg9[%get3A_328] {strides = array<i32>} : memref<512xf32, #tpu.memory_space<vmem>>, vector<16xf32>,
    %get3A_330 = vector.shape_cast %get3A_329 : vector<16xf32> to vector<16xf32>
    %add3A_331 = arith.addf %get3A_327, %get3A_330 : vector<16xf32>
    %get3A_332 = arith.constant 288 : index
    %get3A_333 = tpu.vector_load %arg10[%get3A_332] {strides = array<i32>} : memref<512xf32, #tpu.memory_space<vmem>>, vector<16xf32>,
    %get3A_334 = vector.shape_cast %get3A_333 : vector<16xf32> to vector<16xf32>
    %add3A_335 = arith.addf %add3A_331, %get3A_334 : vector<16xf32>
    %swap3A_336 = arith.constant 288 : index
    %swap3A_337 = tpu.vector_load %arg8[%swap3A_336] {strides = array<i32>} : memref<512xf32, #tpu.memory_space<vmem>>, vector<16xf32>,
    %swap3A_338 = vector.shape_cast %swap3A_337 : vector<16xf32> to vector<16xf32>
    %swap3A_339 = vector.shape_cast %add3A_335 : vector<16xf32> to vector<16xf32>
    tpu.vector_store %arg8[%swap3A_336], %swap3A_339 {strides = array<i32>} : memref<512xf32, #tpu.memory_space<vmem>>, vector<16xf32>,
    %get3A_340 = arith.constant 304 : index
    %get3A_341 = tpu.vector_load %arg8[%get3A_340] {strides = array<i32>} : memref<512xf32, #tpu.memory_space<vmem>>, vector<16xf32>,
    %get3A_342 = vector.shape_cast %get3A_341 : vector<16xf32> to vector<16xf32>
    %get3A_343 = arith.constant 304 : index
    %get3A_344 = tpu.vector_load %arg9[%get3A_343] {strides = array<i32>} : memref<512xf32, #tpu.memory_space<vmem>>, vector<16xf32>,
    %get3A_345 = vector.shape_cast %get3A_344 : vector<16xf32> to vector<16xf32>
    %add3A_346 = arith.addf %get3A_342, %get3A_345 : vector<16xf32>
    %get3A_347 = arith.constant 304 : index
    %get3A_348 = tpu.vector_load %arg10[%get3A_347] {strides = array<i32>} : memref<512xf32, #tpu.memory_space<vmem>>, vector<16xf32>,
    %get3A_349 = vector.shape_cast %get3A_348 : vector<16xf32> to vector<16xf32>
    %add3A_350 = arith.addf %add3A_346, %get3A_349 : vector<16xf32>
    %swap3A_351 = arith.constant 304 : index
    %swap3A_352 = tpu.vector_load %arg8[%swap3A_351] {strides = array<i32>} : memref<512xf32, #tpu.memory_space<vmem>>, vector<16xf32>,
    %swap3A_353 = vector.shape_cast %swap3A_352 : vector<16xf32> to vector<16xf32>
    %swap3A_354 = vector.shape_cast %add3A_350 : vector<16xf32> to vector<16xf32>
    tpu.vector_store %arg8[%swap3A_351], %swap3A_354 {strides = array<i32>} : memref<512xf32, #tpu.memory_space<vmem>>, vector<16xf32>,
    %get3A_355 = arith.constant 320 : index
    %get3A_356 = tpu.vector_load %arg8[%get3A_355] {strides = array<i32>} : memref<512xf32, #tpu.memory_space<vmem>>, vector<16xf32>,
    %get3A_357 = vector.shape_cast %get3A_356 : vector<16xf32> to vector<16xf32>
    %get3A_358 = arith.constant 320 : index
    %get3A_359 = tpu.vector_load %arg9[%get3A_358] {strides = array<i32>} : memref<512xf32, #tpu.memory_space<vmem>>, vector<16xf32>,
    %get3A_360 = vector.shape_cast %get3A_359 : vector<16xf32> to vector<16xf32>
    %add3A_361 = arith.addf %get3A_357, %get3A_360 : vector<16xf32>
    %get3A_362 = arith.constant 320 : index
    %get3A_363 = tpu.vector_load %arg10[%get3A_362] {strides = array<i32>} : memref<512xf32, #tpu.memory_space<vmem>>, vector<16xf32>,
    %get3A_364 = vector.shape_cast %get3A_363 : vector<16xf32> to vector<16xf32>
    %add3A_365 = arith.addf %add3A_361, %get3A_364 : vector<16xf32>
    %swap3A_366 = arith.constant 320 : index
    %swap3A_367 = tpu.vector_load %arg8[%swap3A_366] {strides = array<i32>} : memref<512xf32, #tpu.memory_space<vmem>>, vector<16xf32>,
    %swap3A_368 = vector.shape_cast %swap3A_367 : vector<16xf32> to vector<16xf32>
    %swap3A_369 = vector.shape_cast %add3A_365 : vector<16xf32> to vector<16xf32>
    tpu.vector_store %arg8[%swap3A_366], %swap3A_369 {strides = array<i32>} : memref<512xf32, #tpu.memory_space<vmem>>, vector<16xf32>,
    %get3A_370 = arith.constant 336 : index
    %get3A_371 = tpu.vector_load %arg8[%get3A_370] {strides = array<i32>} : memref<512xf32, #tpu.memory_space<vmem>>, vector<16xf32>,
    %get3A_372 = vector.shape_cast %get3A_371 : vector<16xf32> to vector<16xf32>
    %get3A_373 = arith.constant 336 : index
    %get3A_374 = tpu.vector_load %arg9[%get3A_373] {strides = array<i32>} : memref<512xf32, #tpu.memory_space<vmem>>, vector<16xf32>,
    %get3A_375 = vector.shape_cast %get3A_374 : vector<16xf32> to vector<16xf32>
    %add3A_376 = arith.addf %get3A_372, %get3A_375 : vector<16xf32>
    %get3A_377 = arith.constant 336 : index
    %get3A_378 = tpu.vector_load %arg10[%get3A_377] {strides = array<i32>} : memref<512xf32, #tpu.memory_space<vmem>>, vector<16xf32>,
    %get3A_379 = vector.shape_cast %get3A_378 : vector<16xf32> to vector<16xf32>
    %add3A_380 = arith.addf %add3A_376, %get3A_379 : vector<16xf32>
    %swap3A_381 = arith.constant 336 : index
    %swap3A_382 = tpu.vector_load %arg8[%swap3A_381] {strides = array<i32>} : memref<512xf32, #tpu.memory_space<vmem>>, vector<16xf32>,
    %swap3A_383 = vector.shape_cast %swap3A_382 : vector<16xf32> to vector<16xf32>
    %swap3A_384 = vector.shape_cast %add3A_380 : vector<16xf32> to vector<16xf32>
    tpu.vector_store %arg8[%swap3A_381], %swap3A_384 {strides = array<i32>} : memref<512xf32, #tpu.memory_space<vmem>>, vector<16xf32>,
    %get3A_385 = arith.constant 352 : index
    %get3A_386 = tpu.vector_load %arg8[%get3A_385] {strides = array<i32>} : memref<512xf32, #tpu.memory_space<vmem>>, vector<16xf32>,
    %get3A_387 = vector.shape_cast %get3A_386 : vector<16xf32> to vector<16xf32>
    %get3A_388 = arith.constant 352 : index
    %get3A_389 = tpu.vector_load %arg9[%get3A_388] {strides = array<i32>} : memref<512xf32, #tpu.memory_space<vmem>>, vector<16xf32>,
    %get3A_390 = vector.shape_cast %get3A_389 : vector<16xf32> to vector<16xf32>
    %add3A_391 = arith.addf %get3A_387, %get3A_390 : vector<16xf32>
    %get3A_392 = arith.constant 352 : index
    %get3A_393 = tpu.vector_load %arg10[%get3A_392] {strides = array<i32>} : memref<512xf32, #tpu.memory_space<vmem>>, vector<16xf32>,
    %get3A_394 = vector.shape_cast %get3A_393 : vector<16xf32> to vector<16xf32>
    %add3A_395 = arith.addf %add3A_391, %get3A_394 : vector<16xf32>
    %swap3A_396 = arith.constant 352 : index
    %swap3A_397 = tpu.vector_load %arg8[%swap3A_396] {strides = array<i32>} : memref<512xf32, #tpu.memory_space<vmem>>, vector<16xf32>,
    %swap3A_398 = vector.shape_cast %swap3A_397 : vector<16xf32> to vector<16xf32>
    %swap3A_399 = vector.shape_cast %add3A_395 : vector<16xf32> to vector<16xf32>
    tpu.vector_store %arg8[%swap3A_396], %swap3A_399 {strides = array<i32>} : memref<512xf32, #tpu.memory_space<vmem>>, vector<16xf32>,
    %get3A_400 = arith.constant 368 : index
    %get3A_401 = tpu.vector_load %arg8[%get3A_400] {strides = array<i32>} : memref<512xf32, #tpu.memory_space<vmem>>, vector<16xf32>,
    %get3A_402 = vector.shape_cast %get3A_401 : vector<16xf32> to vector<16xf32>
    %get3A_403 = arith.constant 368 : index
    %get3A_404 = tpu.vector_load %arg9[%get3A_403] {strides = array<i32>} : memref<512xf32, #tpu.memory_space<vmem>>, vector<16xf32>,
    %get3A_405 = vector.shape_cast %get3A_404 : vector<16xf32> to vector<16xf32>
    %add3A_406 = arith.addf %get3A_402, %get3A_405 : vector<16xf32>
    %get3A_407 = arith.constant 368 : index
    %get3A_408 = tpu.vector_load %arg10[%get3A_407] {strides = array<i32>} : memref<512xf32, #tpu.memory_space<vmem>>, vector<16xf32>,
    %get3A_409 = vector.shape_cast %get3A_408 : vector<16xf32> to vector<16xf32>
    %add3A_410 = arith.addf %add3A_406, %get3A_409 : vector<16xf32>
    %swap3A_411 = arith.constant 368 : index
    %swap3A_412 = tpu.vector_load %arg8[%swap3A_411] {strides = array<i32>} : memref<512xf32, #tpu.memory_space<vmem>>, vector<16xf32>,
    %swap3A_413 = vector.shape_cast %swap3A_412 : vector<16xf32> to vector<16xf32>
    %swap3A_414 = vector.shape_cast %add3A_410 : vector<16xf32> to vector<16xf32>
    tpu.vector_store %arg8[%swap3A_411], %swap3A_414 {strides = array<i32>} : memref<512xf32, #tpu.memory_space<vmem>>, vector<16xf32>,
    %get3A_415 = arith.constant 384 : index
    %get3A_416 = tpu.vector_load %arg8[%get3A_415] {strides = array<i32>} : memref<512xf32, #tpu.memory_space<vmem>>, vector<16xf32>,
    %get3A_417 = vector.shape_cast %get3A_416 : vector<16xf32> to vector<16xf32>
    %get3A_418 = arith.constant 384 : index
    %get3A_419 = tpu.vector_load %arg9[%get3A_418] {strides = array<i32>} : memref<512xf32, #tpu.memory_space<vmem>>, vector<16xf32>,
    %get3A_420 = vector.shape_cast %get3A_419 : vector<16xf32> to vector<16xf32>
    %add3A_421 = arith.addf %get3A_417, %get3A_420 : vector<16xf32>
    %get3A_422 = arith.constant 384 : index
    %get3A_423 = tpu.vector_load %arg10[%get3A_422] {strides = array<i32>} : memref<512xf32, #tpu.memory_space<vmem>>, vector<16xf32>,
    %get3A_424 = vector.shape_cast %get3A_423 : vector<16xf32> to vector<16xf32>
    %add3A_425 = arith.addf %add3A_421, %get3A_424 : vector<16xf32>
    %swap3A_426 = arith.constant 384 : index
    %swap3A_427 = tpu.vector_load %arg8[%swap3A_426] {strides = array<i32>} : memref<512xf32, #tpu.memory_space<vmem>>, vector<16xf32>,
    %swap3A_428 = vector.shape_cast %swap3A_427 : vector<16xf32> to vector<16xf32>
    %swap3A_429 = vector.shape_cast %add3A_425 : vector<16xf32> to vector<16xf32>
    tpu.vector_store %arg8[%swap3A_426], %swap3A_429 {strides = array<i32>} : memref<512xf32, #tpu.memory_space<vmem>>, vector<16xf32>,
    %get3A_430 = arith.constant 400 : index
    %get3A_431 = tpu.vector_load %arg8[%get3A_430] {strides = array<i32>} : memref<512xf32, #tpu.memory_space<vmem>>, vector<16xf32>,
    %get3A_432 = vector.shape_cast %get3A_431 : vector<16xf32> to vector<16xf32>
    %get3A_433 = arith.constant 400 : index
    %get3A_434 = tpu.vector_load %arg9[%get3A_433] {strides = array<i32>} : memref<512xf32, #tpu.memory_space<vmem>>, vector<16xf32>,
    %get3A_435 = vector.shape_cast %get3A_434 : vector<16xf32> to vector<16xf32>
    %add3A_436 = arith.addf %get3A_432, %get3A_435 : vector<16xf32>
    %get3A_437 = arith.constant 400 : index
    %get3A_438 = tpu.vector_load %arg10[%get3A_437] {strides = array<i32>} : memref<512xf32, #tpu.memory_space<vmem>>, vector<16xf32>,
    %get3A_439 = vector.shape_cast %get3A_438 : vector<16xf32> to vector<16xf32>
    %add3A_440 = arith.addf %add3A_436, %get3A_439 : vector<16xf32>
    %swap3A_441 = arith.constant 400 : index
    %swap3A_442 = tpu.vector_load %arg8[%swap3A_441] {strides = array<i32>} : memref<512xf32, #tpu.memory_space<vmem>>, vector<16xf32>,
    %swap3A_443 = vector.shape_cast %swap3A_442 : vector<16xf32> to vector<16xf32>
    %swap3A_444 = vector.shape_cast %add3A_440 : vector<16xf32> to vector<16xf32>
    tpu.vector_store %arg8[%swap3A_441], %swap3A_444 {strides = array<i32>} : memref<512xf32, #tpu.memory_space<vmem>>, vector<16xf32>,
    %get3A_445 = arith.constant 416 : index
    %get3A_446 = tpu.vector_load %arg8[%get3A_445] {strides = array<i32>} : memref<512xf32, #tpu.memory_space<vmem>>, vector<16xf32>,
    %get3A_447 = vector.shape_cast %get3A_446 : vector<16xf32> to vector<16xf32>
    %get3A_448 = arith.constant 416 : index
    %get3A_449 = tpu.vector_load %arg9[%get3A_448] {strides = array<i32>} : memref<512xf32, #tpu.memory_space<vmem>>, vector<16xf32>,
    %get3A_450 = vector.shape_cast %get3A_449 : vector<16xf32> to vector<16xf32>
    %add3A_451 = arith.addf %get3A_447, %get3A_450 : vector<16xf32>
    %get3A_452 = arith.constant 416 : index
    %get3A_453 = tpu.vector_load %arg10[%get3A_452] {strides = array<i32>} : memref<512xf32, #tpu.memory_space<vmem>>, vector<16xf32>,
    %get3A_454 = vector.shape_cast %get3A_453 : vector<16xf32> to vector<16xf32>
    %add3A_455 = arith.addf %add3A_451, %get3A_454 : vector<16xf32>
    %swap3A_456 = arith.constant 416 : index
    %swap3A_457 = tpu.vector_load %arg8[%swap3A_456] {strides = array<i32>} : memref<512xf32, #tpu.memory_space<vmem>>, vector<16xf32>,
    %swap3A_458 = vector.shape_cast %swap3A_457 : vector<16xf32> to vector<16xf32>
    %swap3A_459 = vector.shape_cast %add3A_455 : vector<16xf32> to vector<16xf32>
    tpu.vector_store %arg8[%swap3A_456], %swap3A_459 {strides = array<i32>} : memref<512xf32, #tpu.memory_space<vmem>>, vector<16xf32>,
    %get3A_460 = arith.constant 432 : index
    %get3A_461 = tpu.vector_load %arg8[%get3A_460] {strides = array<i32>} : memref<512xf32, #tpu.memory_space<vmem>>, vector<16xf32>,
    %get3A_462 = vector.shape_cast %get3A_461 : vector<16xf32> to vector<16xf32>
    %get3A_463 = arith.constant 432 : index
    %get3A_464 = tpu.vector_load %arg9[%get3A_463] {strides = array<i32>} : memref<512xf32, #tpu.memory_space<vmem>>, vector<16xf32>,
    %get3A_465 = vector.shape_cast %get3A_464 : vector<16xf32> to vector<16xf32>
    %add3A_466 = arith.addf %get3A_462, %get3A_465 : vector<16xf32>
    %get3A_467 = arith.constant 432 : index
    %get3A_468 = tpu.vector_load %arg10[%get3A_467] {strides = array<i32>} : memref<512xf32, #tpu.memory_space<vmem>>, vector<16xf32>,
    %get3A_469 = vector.shape_cast %get3A_468 : vector<16xf32> to vector<16xf32>
    %add3A_470 = arith.addf %add3A_466, %get3A_469 : vector<16xf32>
    %swap3A_471 = arith.constant 432 : index
    %swap3A_472 = tpu.vector_load %arg8[%swap3A_471] {strides = array<i32>} : memref<512xf32, #tpu.memory_space<vmem>>, vector<16xf32>,
    %swap3A_473 = vector.shape_cast %swap3A_472 : vector<16xf32> to vector<16xf32>
    %swap3A_474 = vector.shape_cast %add3A_470 : vector<16xf32> to vector<16xf32>
    tpu.vector_store %arg8[%swap3A_471], %swap3A_474 {strides = array<i32>} : memref<512xf32, #tpu.memory_space<vmem>>, vector<16xf32>,
    %get3A_475 = arith.constant 448 : index
    %get3A_476 = tpu.vector_load %arg8[%get3A_475] {strides = array<i32>} : memref<512xf32, #tpu.memory_space<vmem>>, vector<16xf32>,
    %get3A_477 = vector.shape_cast %get3A_476 : vector<16xf32> to vector<16xf32>
    %get3A_478 = arith.constant 448 : index
    %get3A_479 = tpu.vector_load %arg9[%get3A_478] {strides = array<i32>} : memref<512xf32, #tpu.memory_space<vmem>>, vector<16xf32>,
    %get3A_480 = vector.shape_cast %get3A_479 : vector<16xf32> to vector<16xf32>
    %add3A_481 = arith.addf %get3A_477, %get3A_480 : vector<16xf32>
    %get3A_482 = arith.constant 448 : index
    %get3A_483 = tpu.vector_load %arg10[%get3A_482] {strides = array<i32>} : memref<512xf32, #tpu.memory_space<vmem>>, vector<16xf32>,
    %get3A_484 = vector.shape_cast %get3A_483 : vector<16xf32> to vector<16xf32>
    %add3A_485 = arith.addf %add3A_481, %get3A_484 : vector<16xf32>
    %swap3A_486 = arith.constant 448 : index
    %swap3A_487 = tpu.vector_load %arg8[%swap3A_486] {strides = array<i32>} : memref<512xf32, #tpu.memory_space<vmem>>, vector<16xf32>,
    %swap3A_488 = vector.shape_cast %swap3A_487 : vector<16xf32> to vector<16xf32>
    %swap3A_489 = vector.shape_cast %add3A_485 : vector<16xf32> to vector<16xf32>
    tpu.vector_store %arg8[%swap3A_486], %swap3A_489 {strides = array<i32>} : memref<512xf32, #tpu.memory_space<vmem>>, vector<16xf32>,
    %get3A_490 = arith.constant 464 : index
    %get3A_491 = tpu.vector_load %arg8[%get3A_490] {strides = array<i32>} : memref<512xf32, #tpu.memory_space<vmem>>, vector<16xf32>,
    %get3A_492 = vector.shape_cast %get3A_491 : vector<16xf32> to vector<16xf32>
    %get3A_493 = arith.constant 464 : index
    %get3A_494 = tpu.vector_load %arg9[%get3A_493] {strides = array<i32>} : memref<512xf32, #tpu.memory_space<vmem>>, vector<16xf32>,
    %get3A_495 = vector.shape_cast %get3A_494 : vector<16xf32> to vector<16xf32>
    %add3A_496 = arith.addf %get3A_492, %get3A_495 : vector<16xf32>
    %get3A_497 = arith.constant 464 : index
    %get3A_498 = tpu.vector_load %arg10[%get3A_497] {strides = array<i32>} : memref<512xf32, #tpu.memory_space<vmem>>, vector<16xf32>,
    %get3A_499 = vector.shape_cast %get3A_498 : vector<16xf32> to vector<16xf32>
    %add3A_500 = arith.addf %add3A_496, %get3A_499 : vector<16xf32>
    %swap3A_501 = arith.constant 464 : index
    %swap3A_502 = tpu.vector_load %arg8[%swap3A_501] {strides = array<i32>} : memref<512xf32, #tpu.memory_space<vmem>>, vector<16xf32>,
    %swap3A_503 = vector.shape_cast %swap3A_502 : vector<16xf32> to vector<16xf32>
    %swap3A_504 = vector.shape_cast %add3A_500 : vector<16xf32> to vector<16xf32>
    tpu.vector_store %arg8[%swap3A_501], %swap3A_504 {strides = array<i32>} : memref<512xf32, #tpu.memory_space<vmem>>, vector<16xf32>,
    %get3A_505 = arith.constant 480 : index
    %get3A_506 = tpu.vector_load %arg8[%get3A_505] {strides = array<i32>} : memref<512xf32, #tpu.memory_space<vmem>>, vector<16xf32>,
    %get3A_507 = vector.shape_cast %get3A_506 : vector<16xf32> to vector<16xf32>
    %get3A_508 = arith.constant 480 : index
    %get3A_509 = tpu.vector_load %arg9[%get3A_508] {strides = array<i32>} : memref<512xf32, #tpu.memory_space<vmem>>, vector<16xf32>,
    %get3A_510 = vector.shape_cast %get3A_509 : vector<16xf32> to vector<16xf32>
    %add3A_511 = arith.addf %get3A_507, %get3A_510 : vector<16xf32>
    %get3A_512 = arith.constant 480 : index
    %get3A_513 = tpu.vector_load %arg10[%get3A_512] {strides = array<i32>} : memref<512xf32, #tpu.memory_space<vmem>>, vector<16xf32>,
    %get3A_514 = vector.shape_cast %get3A_513 : vector<16xf32> to vector<16xf32>
    %add3A_515 = arith.addf %add3A_511, %get3A_514 : vector<16xf32>
    %swap3A_516 = arith.constant 480 : index
    %swap3A_517 = tpu.vector_load %arg8[%swap3A_516] {strides = array<i32>} : memref<512xf32, #tpu.memory_space<vmem>>, vector<16xf32>,
    %swap3A_518 = vector.shape_cast %swap3A_517 : vector<16xf32> to vector<16xf32>
    %swap3A_519 = vector.shape_cast %add3A_515 : vector<16xf32> to vector<16xf32>
    tpu.vector_store %arg8[%swap3A_516], %swap3A_519 {strides = array<i32>} : memref<512xf32, #tpu.memory_space<vmem>>, vector<16xf32>,
    %get3A_520 = arith.constant 496 : index
    %get3A_521 = tpu.vector_load %arg8[%get3A_520] {strides = array<i32>} : memref<512xf32, #tpu.memory_space<vmem>>, vector<16xf32>,
    %get3A_522 = vector.shape_cast %get3A_521 : vector<16xf32> to vector<16xf32>
    %get3A_523 = arith.constant 496 : index
    %get3A_524 = tpu.vector_load %arg9[%get3A_523] {strides = array<i32>} : memref<512xf32, #tpu.memory_space<vmem>>, vector<16xf32>,
    %get3A_525 = vector.shape_cast %get3A_524 : vector<16xf32> to vector<16xf32>
    %add3A_526 = arith.addf %get3A_522, %get3A_525 : vector<16xf32>
    %get3A_527 = arith.constant 496 : index
    %get3A_528 = tpu.vector_load %arg10[%get3A_527] {strides = array<i32>} : memref<512xf32, #tpu.memory_space<vmem>>, vector<16xf32>,
    %get3A_529 = vector.shape_cast %get3A_528 : vector<16xf32> to vector<16xf32>
    %add3A_530 = arith.addf %add3A_526, %get3A_529 : vector<16xf32>
    %swap3A_531 = arith.constant 496 : index
    %swap3A_532 = tpu.vector_load %arg8[%swap3A_531] {strides = array<i32>} : memref<512xf32, #tpu.memory_space<vmem>>, vector<16xf32>,
    %swap3A_533 = vector.shape_cast %swap3A_532 : vector<16xf32> to vector<16xf32>
    %swap3A_534 = vector.shape_cast %add3A_530 : vector<16xf32> to vector<16xf32>
    tpu.vector_store %arg8[%swap3A_531], %swap3A_534 {strides = array<i32>} : memref<512xf32, #tpu.memory_space<vmem>>, vector<16xf32>,
    "tpu.region"() ({
      %run_scoped3A = tpu.sem_alloc : memref<!tpu.dma_semaphore, #tpu.memory_space<semaphore_mem>>
      %dma_start3A_535 = tpu.memref_slice %arg6[%mul3A_2] : memref<16384xf32, #tpu.memory_space<hbm>> -> memref<512xf32, #tpu.memory_space<hbm>>
      %dma_start3A_536 = tpu.memref_slice %arg6[%mul3A_2] : memref<16384xf32, #tpu.memory_space<hbm>> -> memref<512xf32, #tpu.memory_space<hbm>>
      tpu.enqueue_dma source(%arg8 : memref<512xf32, #tpu.memory_space<vmem>>) target(%dma_start3A_536 : memref<512xf32, #tpu.memory_space<hbm>>) target_semaphore(%run_scoped3A : memref<!tpu.dma_semaphore, #tpu.memory_space<semaphore_mem>>)
      %dma_wait3A_537 = tpu.memref_slice %arg6[%mul3A_2] : memref<16384xf32, #tpu.memory_space<hbm>> -> memref<512xf32, #tpu.memory_space<hbm>>
      %dma_wait3A_538 = tpu.memref_slice %arg6[%mul3A_2] : memref<16384xf32, #tpu.memory_space<hbm>> -> memref<512xf32, #tpu.memory_space<hbm>>
      tpu.wait_dma2 semaphore(%run_scoped3A : memref<!tpu.dma_semaphore, #tpu.memory_space<semaphore_mem>>) src(%arg8 : memref<512xf32, #tpu.memory_space<vmem>>) dst(%dma_wait3A_538 : memref<512xf32, #tpu.memory_space<hbm>>)
      tpu.yield
    }) : () -> ()
    return
  }
}

#map = affine_map<(d0, d1) -> (0)>
module attributes {stable_mosaic.version = 14 : i64} {
  func.func @_sc_gather_body(%arg0: i32, %arg1: i32, %arg2: memref<16384xi32, #tpu.memory_space<hbm>>, %arg3: memref<100000xf32, #tpu.memory_space<hbm>>, %arg4: memref<16384xf32, #tpu.memory_space<hbm>>, %arg5: memref<512xi32, #tpu.memory_space<vmem>>, %arg6: memref<512xf32, #tpu.memory_space<vmem>>, %arg7: memref<!tpu.dma_semaphore, #tpu.memory_space<semaphore_mem>>) attributes {dimension_semantics = [#tpu.dimension_semantics<core_parallel>, #tpu.dimension_semantics<subcore_parallel>], iteration_bounds = array<i64: 2, 16>, scalar_prefetch = 0 : i64, scratch_operands = 3 : i64, tpu.core_type = #tpu.core_type<sc_vector_subcore>, window_params = [{transform_indices = #map}, {transform_indices = #map}, {transform_indices = #map}]} {
    %mul3A = arith.constant 2 : i32
    %mul3A_0 = arith.muli %arg1, %mul3A : i32
    %add3A = arith.addi %mul3A_0, %arg0 : i32
    %mul3A_1 = arith.constant 512 : i32
    %mul3A_2 = arith.muli %add3A, %mul3A_1 : i32
    "tpu.region"() ({
      %run_scoped3A = tpu.sem_alloc : memref<!tpu.dma_semaphore, #tpu.memory_space<semaphore_mem>>
      %dma_start3A_49 = tpu.memref_slice %arg2[%mul3A_2] : memref<16384xi32, #tpu.memory_space<hbm>> -> memref<512xi32, #tpu.memory_space<hbm>>
      %dma_start3A_50 = tpu.memref_slice %arg2[%mul3A_2] : memref<16384xi32, #tpu.memory_space<hbm>> -> memref<512xi32, #tpu.memory_space<hbm>>
      tpu.enqueue_dma source(%dma_start3A_50 : memref<512xi32, #tpu.memory_space<hbm>>) target(%arg5 : memref<512xi32, #tpu.memory_space<vmem>>) target_semaphore(%run_scoped3A : memref<!tpu.dma_semaphore, #tpu.memory_space<semaphore_mem>>)
      %dma_wait3A_51 = tpu.memref_slice %arg2[%mul3A_2] : memref<16384xi32, #tpu.memory_space<hbm>> -> memref<512xi32, #tpu.memory_space<hbm>>
      %dma_wait3A_52 = tpu.memref_slice %arg2[%mul3A_2] : memref<16384xi32, #tpu.memory_space<hbm>> -> memref<512xi32, #tpu.memory_space<hbm>>
      tpu.wait_dma2 semaphore(%run_scoped3A : memref<!tpu.dma_semaphore, #tpu.memory_space<semaphore_mem>>) src(%dma_wait3A_52 : memref<512xi32, #tpu.memory_space<hbm>>) dst(%arg5 : memref<512xi32, #tpu.memory_space<vmem>>)
      tpu.yield
    }) : () -> ()
    %dma_start3A = arith.constant 0 : i32
    %dma_start3A_3 = tpu.memref_slice %arg6[%dma_start3A] : memref<512xf32, #tpu.memory_space<vmem>> -> memref<128xf32, #tpu.memory_space<vmem>>
    %dma_start3A_4 = arith.constant 0 : i32
    %dma_start3A_5 = tpu.memref_slice %arg5[%dma_start3A_4] : memref<512xi32, #tpu.memory_space<vmem>> -> memref<128xi32, #tpu.memory_space<vmem>>
    %dma_start3A_6 = arith.constant 0 : i32
    %dma_start3A_7 = tpu.memref_slice %arg3[%dma_start3A_6] : memref<100000xf32, #tpu.memory_space<hbm>> -> memref<100000xf32, #tpu.memory_space<hbm>>
    tpu.enqueue_indirect_dma source(%dma_start3A_7 : memref<100000xf32, #tpu.memory_space<hbm>>) target(%dma_start3A_3 : memref<128xf32, #tpu.memory_space<vmem>>) offsets(%dma_start3A_5 : memref<128xi32, #tpu.memory_space<vmem>>) semaphore(%arg7 : memref<!tpu.dma_semaphore, #tpu.memory_space<semaphore_mem>>)
    %dma_start3A_8 = arith.constant 128 : i32
    %dma_start3A_9 = tpu.memref_slice %arg6[%dma_start3A_8] : memref<512xf32, #tpu.memory_space<vmem>> -> memref<128xf32, #tpu.memory_space<vmem>>
    %dma_start3A_10 = arith.constant 128 : i32
    %dma_start3A_11 = tpu.memref_slice %arg5[%dma_start3A_10] : memref<512xi32, #tpu.memory_space<vmem>> -> memref<128xi32, #tpu.memory_space<vmem>>
    %dma_start3A_12 = arith.constant 0 : i32
    %dma_start3A_13 = tpu.memref_slice %arg3[%dma_start3A_12] : memref<100000xf32, #tpu.memory_space<hbm>> -> memref<100000xf32, #tpu.memory_space<hbm>>
    tpu.enqueue_indirect_dma source(%dma_start3A_13 : memref<100000xf32, #tpu.memory_space<hbm>>) target(%dma_start3A_9 : memref<128xf32, #tpu.memory_space<vmem>>) offsets(%dma_start3A_11 : memref<128xi32, #tpu.memory_space<vmem>>) semaphore(%arg7 : memref<!tpu.dma_semaphore, #tpu.memory_space<semaphore_mem>>)
    %dma_start3A_14 = arith.constant 256 : i32
    %dma_start3A_15 = tpu.memref_slice %arg6[%dma_start3A_14] : memref<512xf32, #tpu.memory_space<vmem>> -> memref<128xf32, #tpu.memory_space<vmem>>
    %dma_start3A_16 = arith.constant 256 : i32
    %dma_start3A_17 = tpu.memref_slice %arg5[%dma_start3A_16] : memref<512xi32, #tpu.memory_space<vmem>> -> memref<128xi32, #tpu.memory_space<vmem>>
    %dma_start3A_18 = arith.constant 0 : i32
    %dma_start3A_19 = tpu.memref_slice %arg3[%dma_start3A_18] : memref<100000xf32, #tpu.memory_space<hbm>> -> memref<100000xf32, #tpu.memory_space<hbm>>
    tpu.enqueue_indirect_dma source(%dma_start3A_19 : memref<100000xf32, #tpu.memory_space<hbm>>) target(%dma_start3A_15 : memref<128xf32, #tpu.memory_space<vmem>>) offsets(%dma_start3A_17 : memref<128xi32, #tpu.memory_space<vmem>>) semaphore(%arg7 : memref<!tpu.dma_semaphore, #tpu.memory_space<semaphore_mem>>)
    %dma_start3A_20 = arith.constant 384 : i32
    %dma_start3A_21 = tpu.memref_slice %arg6[%dma_start3A_20] : memref<512xf32, #tpu.memory_space<vmem>> -> memref<128xf32, #tpu.memory_space<vmem>>
    %dma_start3A_22 = arith.constant 384 : i32
    %dma_start3A_23 = tpu.memref_slice %arg5[%dma_start3A_22] : memref<512xi32, #tpu.memory_space<vmem>> -> memref<128xi32, #tpu.memory_space<vmem>>
    %dma_start3A_24 = arith.constant 0 : i32
    %dma_start3A_25 = tpu.memref_slice %arg3[%dma_start3A_24] : memref<100000xf32, #tpu.memory_space<hbm>> -> memref<100000xf32, #tpu.memory_space<hbm>>
    tpu.enqueue_indirect_dma source(%dma_start3A_25 : memref<100000xf32, #tpu.memory_space<hbm>>) target(%dma_start3A_21 : memref<128xf32, #tpu.memory_space<vmem>>) offsets(%dma_start3A_23 : memref<128xi32, #tpu.memory_space<vmem>>) semaphore(%arg7 : memref<!tpu.dma_semaphore, #tpu.memory_space<semaphore_mem>>)
    %dma_wait3A = arith.constant 0 : i32
    %dma_wait3A_26 = tpu.memref_slice %arg6[%dma_wait3A] : memref<512xf32, #tpu.memory_space<vmem>> -> memref<128xf32, #tpu.memory_space<vmem>>
    %dma_wait3A_27 = arith.constant 0 : i32
    %dma_wait3A_28 = tpu.memref_slice %arg5[%dma_wait3A_27] : memref<512xi32, #tpu.memory_space<vmem>> -> memref<128xi32, #tpu.memory_space<vmem>>
    %dma_wait3A_29 = arith.constant 0 : i32
    %dma_wait3A_30 = tpu.memref_slice %arg3[%dma_wait3A_29] : memref<100000xf32, #tpu.memory_space<hbm>> -> memref<100000xf32, #tpu.memory_space<hbm>>
    tpu.wait_indirect_dma semaphore(%arg7 : memref<!tpu.dma_semaphore, #tpu.memory_space<semaphore_mem>>) src(%dma_wait3A_30 : memref<100000xf32, #tpu.memory_space<hbm>>) dst(%dma_wait3A_26 : memref<128xf32, #tpu.memory_space<vmem>>)
    %dma_wait3A_31 = arith.constant 128 : i32
    %dma_wait3A_32 = tpu.memref_slice %arg6[%dma_wait3A_31] : memref<512xf32, #tpu.memory_space<vmem>> -> memref<128xf32, #tpu.memory_space<vmem>>
    %dma_wait3A_33 = arith.constant 128 : i32
    %dma_wait3A_34 = tpu.memref_slice %arg5[%dma_wait3A_33] : memref<512xi32, #tpu.memory_space<vmem>> -> memref<128xi32, #tpu.memory_space<vmem>>
    %dma_wait3A_35 = arith.constant 0 : i32
    %dma_wait3A_36 = tpu.memref_slice %arg3[%dma_wait3A_35] : memref<100000xf32, #tpu.memory_space<hbm>> -> memref<100000xf32, #tpu.memory_space<hbm>>
    tpu.wait_indirect_dma semaphore(%arg7 : memref<!tpu.dma_semaphore, #tpu.memory_space<semaphore_mem>>) src(%dma_wait3A_36 : memref<100000xf32, #tpu.memory_space<hbm>>) dst(%dma_wait3A_32 : memref<128xf32, #tpu.memory_space<vmem>>)
    %dma_wait3A_37 = arith.constant 256 : i32
    %dma_wait3A_38 = tpu.memref_slice %arg6[%dma_wait3A_37] : memref<512xf32, #tpu.memory_space<vmem>> -> memref<128xf32, #tpu.memory_space<vmem>>
    %dma_wait3A_39 = arith.constant 256 : i32
    %dma_wait3A_40 = tpu.memref_slice %arg5[%dma_wait3A_39] : memref<512xi32, #tpu.memory_space<vmem>> -> memref<128xi32, #tpu.memory_space<vmem>>
    %dma_wait3A_41 = arith.constant 0 : i32
    %dma_wait3A_42 = tpu.memref_slice %arg3[%dma_wait3A_41] : memref<100000xf32, #tpu.memory_space<hbm>> -> memref<100000xf32, #tpu.memory_space<hbm>>
    tpu.wait_indirect_dma semaphore(%arg7 : memref<!tpu.dma_semaphore, #tpu.memory_space<semaphore_mem>>) src(%dma_wait3A_42 : memref<100000xf32, #tpu.memory_space<hbm>>) dst(%dma_wait3A_38 : memref<128xf32, #tpu.memory_space<vmem>>)
    %dma_wait3A_43 = arith.constant 384 : i32
    %dma_wait3A_44 = tpu.memref_slice %arg6[%dma_wait3A_43] : memref<512xf32, #tpu.memory_space<vmem>> -> memref<128xf32, #tpu.memory_space<vmem>>
    %dma_wait3A_45 = arith.constant 384 : i32
    %dma_wait3A_46 = tpu.memref_slice %arg5[%dma_wait3A_45] : memref<512xi32, #tpu.memory_space<vmem>> -> memref<128xi32, #tpu.memory_space<vmem>>
    %dma_wait3A_47 = arith.constant 0 : i32
    %dma_wait3A_48 = tpu.memref_slice %arg3[%dma_wait3A_47] : memref<100000xf32, #tpu.memory_space<hbm>> -> memref<100000xf32, #tpu.memory_space<hbm>>
    tpu.wait_indirect_dma semaphore(%arg7 : memref<!tpu.dma_semaphore, #tpu.memory_space<semaphore_mem>>) src(%dma_wait3A_48 : memref<100000xf32, #tpu.memory_space<hbm>>) dst(%dma_wait3A_44 : memref<128xf32, #tpu.memory_space<vmem>>)
    "tpu.region"() ({
      %run_scoped3A = tpu.sem_alloc : memref<!tpu.dma_semaphore, #tpu.memory_space<semaphore_mem>>
      %dma_start3A_49 = tpu.memref_slice %arg4[%mul3A_2] : memref<16384xf32, #tpu.memory_space<hbm>> -> memref<512xf32, #tpu.memory_space<hbm>>
      %dma_start3A_50 = tpu.memref_slice %arg4[%mul3A_2] : memref<16384xf32, #tpu.memory_space<hbm>> -> memref<512xf32, #tpu.memory_space<hbm>>
      tpu.enqueue_dma source(%arg6 : memref<512xf32, #tpu.memory_space<vmem>>) target(%dma_start3A_50 : memref<512xf32, #tpu.memory_space<hbm>>) target_semaphore(%run_scoped3A : memref<!tpu.dma_semaphore, #tpu.memory_space<semaphore_mem>>)
      %dma_wait3A_51 = tpu.memref_slice %arg4[%mul3A_2] : memref<16384xf32, #tpu.memory_space<hbm>> -> memref<512xf32, #tpu.memory_space<hbm>>
      %dma_wait3A_52 = tpu.memref_slice %arg4[%mul3A_2] : memref<16384xf32, #tpu.memory_space<hbm>> -> memref<512xf32, #tpu.memory_space<hbm>>
      tpu.wait_dma2 semaphore(%run_scoped3A : memref<!tpu.dma_semaphore, #tpu.memory_space<semaphore_mem>>) src(%arg6 : memref<512xf32, #tpu.memory_space<vmem>>) dst(%dma_wait3A_52 : memref<512xf32, #tpu.memory_space<hbm>>)
      tpu.yield
    }) : () -> ()
    return
  }
}

module attributes {stable_mosaic.version = 14 : i64} {
  func.func @_matvec_body(%arg0: i32, %arg1: memref<32x100000xf32, #tpu.memory_space<vmem>>, %arg2: memref<1x32xf32, #tpu.memory_space<vmem>>, %arg3: memref<100000xf32, #tpu.memory_space<vmem>>) attributes {dimension_semantics = [#tpu.dimension_semantics<arbitrary>], iteration_bounds = array<i64: 1>, scalar_prefetch = 0 : i64, scratch_operands = 0 : i64, tpu.core_type = #tpu.core_type<tc>, window_params = [{transform_indices = @transform_0, window_bounds = array<i64: 32, 100000>}, {pipeline_mode = #tpu.pipeline_mode<synchronous>, transform_indices = @transform_1, window_bounds = array<i64: 1, 32>}, {transform_indices = @transform_2, window_bounds = array<i64: 100000>}]} {
    %get3A = arith.constant 0 : index
    %get3A_0 = arith.constant 0 : index
    %get3A_1 = vector.load %arg2[%get3A, %get3A_0] : memref<1x32xf32, #tpu.memory_space<vmem>>, vector<1x32xf32>
    %get3A_2 = arith.constant 0 : index
    %get3A_3 = arith.constant 0 : index
    %get3A_4 = vector.load %arg1[%get3A_2, %get3A_3] : memref<32x100000xf32, #tpu.memory_space<vmem>>, vector<32x100000xf32>
    %dot_general3A = arith.constant dense<0.000000e+00> : vector<1x100000xf32>
    %dot_general3A_5 = tpu.matmul %get3A_1, %get3A_4, %dot_general3A {dimension_numbers = #tpu.dot_dimension_numbers<[1], [0], [0], [1], [0, 0, 1, 1], [], []>, transpose_lhs_hint = false} : vector<1x32xf32>, vector<32x100000xf32>, vector<1x100000xf32> -> vector<1x100000xf32>
    %squeeze3A = vector.shape_cast %dot_general3A_5 : vector<1x100000xf32> to vector<100000xf32>
    %swap3A = arith.constant 0 : index
    %swap3A_6 = vector.load %arg3[%swap3A] : memref<100000xf32, #tpu.memory_space<vmem>>, vector<100000xf32>
    tpu.vector_store %arg3[%swap3A], %squeeze3A {strides = array<i32>} : memref<100000xf32, #tpu.memory_space<vmem>>, vector<100000xf32>,
    return
  }
  func.func @transform_0(%arg0: i32) -> (i32, i32) {
    %c0_i32 = arith.constant 0 : i32
    %c0_i32_0 = arith.constant 0 : i32
    return %c0_i32, %arg0 : i32, i32
  }
  func.func @transform_1(%arg0: i32) -> (i32, i32) {
    %c0_i32 = arith.constant 0 : i32
    %c0_i32_0 = arith.constant 0 : i32
    %c0_i32_1 = arith.constant 0 : i32
    return %c0_i32, %c0_i32_0 : i32, i32
  }
  func.func @transform_2(%arg0: i32) -> i32 {
    %c0_i32 = arith.constant 0 : i32
    return %arg0 : i32
  }
}

module attributes {stable_mosaic.version = 14 : i64} {
  func.func @_matvec_body(%arg0: i32, %arg1: memref<32x131072xf32, #tpu.memory_space<vmem>>, %arg2: memref<1x32xf32, #tpu.memory_space<vmem>>, %arg3: memref<131072xf32, #tpu.memory_space<vmem>>) attributes {dimension_semantics = [#tpu.dimension_semantics<arbitrary>], iteration_bounds = array<i64: 8>, scalar_prefetch = 0 : i64, scratch_operands = 0 : i64, tpu.core_type = #tpu.core_type<tc>, window_params = [{transform_indices = @transform_0, window_bounds = array<i64: 32, 131072>}, {pipeline_mode = #tpu.pipeline_mode<synchronous>, transform_indices = @transform_1, window_bounds = array<i64: 1, 32>}, {transform_indices = @transform_2, window_bounds = array<i64: 131072>}]} {
    %get3A = arith.constant 0 : index
    %get3A_0 = arith.constant 0 : index
    %get3A_1 = vector.load %arg2[%get3A, %get3A_0] : memref<1x32xf32, #tpu.memory_space<vmem>>, vector<1x32xf32>
    %get3A_2 = arith.constant 0 : index
    %get3A_3 = arith.constant 0 : index
    %get3A_4 = vector.load %arg1[%get3A_2, %get3A_3] : memref<32x131072xf32, #tpu.memory_space<vmem>>, vector<32x131072xf32>
    %dot_general3A = arith.constant dense<0.000000e+00> : vector<1x131072xf32>
    %dot_general3A_5 = tpu.matmul %get3A_1, %get3A_4, %dot_general3A {dimension_numbers = #tpu.dot_dimension_numbers<[1], [0], [0], [1], [0, 0, 1, 1], [], []>, transpose_lhs_hint = false} : vector<1x32xf32>, vector<32x131072xf32>, vector<1x131072xf32> -> vector<1x131072xf32>
    %squeeze3A = vector.shape_cast %dot_general3A_5 : vector<1x131072xf32> to vector<131072xf32>
    %swap3A = arith.constant 0 : index
    %swap3A_6 = vector.load %arg3[%swap3A] : memref<131072xf32, #tpu.memory_space<vmem>>, vector<131072xf32>
    tpu.vector_store %arg3[%swap3A], %squeeze3A {strides = array<i32>} : memref<131072xf32, #tpu.memory_space<vmem>>, vector<131072xf32>,
    return
  }
  func.func @transform_0(%arg0: i32) -> (i32, i32) {
    %c0_i32 = arith.constant 0 : i32
    %c0_i32_0 = arith.constant 0 : i32
    return %c0_i32, %arg0 : i32, i32
  }
  func.func @transform_1(%arg0: i32) -> (i32, i32) {
    %c0_i32 = arith.constant 0 : i32
    %c0_i32_0 = arith.constant 0 : i32
    %c0_i32_1 = arith.constant 0 : i32
    return %c0_i32, %c0_i32_0 : i32, i32
  }
  func.func @transform_2(%arg0: i32) -> i32 {
    %c0_i32 = arith.constant 0 : i32
    return %arg0 : i32
  }
}

module attributes {stable_mosaic.version = 14 : i64} {
  func.func @_mlp_body(%arg0: i32, %arg1: memref<64x16384xf32, #tpu.memory_space<vmem>>, %arg2: memref<64x64xf32, #tpu.memory_space<vmem>>, %arg3: memref<64x1xf32, #tpu.memory_space<vmem>>, %arg4: memref<1x64xf32, #tpu.memory_space<vmem>>, %arg5: memref<1xf32, #tpu.memory_space<vmem>>, %arg6: memref<16384xf32, #tpu.memory_space<vmem>>) attributes {dimension_semantics = [#tpu.dimension_semantics<arbitrary>], iteration_bounds = array<i64: 1>, scalar_prefetch = 0 : i64, scratch_operands = 0 : i64, tpu.core_type = #tpu.core_type<tc>, window_params = [{transform_indices = @transform_0, window_bounds = array<i64: 64, 16384>}, {pipeline_mode = #tpu.pipeline_mode<synchronous>, transform_indices = @transform_1, window_bounds = array<i64: 64, 64>}, {pipeline_mode = #tpu.pipeline_mode<synchronous>, transform_indices = @transform_2, window_bounds = array<i64: 64, 1>}, {pipeline_mode = #tpu.pipeline_mode<synchronous>, transform_indices = @transform_3, window_bounds = array<i64: 1, 64>}, {pipeline_mode = #tpu.pipeline_mode<synchronous>, transform_indices = @transform_4, window_bounds = array<i64: 1>}, {transform_indices = @transform_5, window_bounds = array<i64: 16384>}]} {
    %get3A = arith.constant 0 : index
    %get3A_0 = arith.constant 0 : index
    %get3A_1 = vector.load %arg2[%get3A, %get3A_0] : memref<64x64xf32, #tpu.memory_space<vmem>>, vector<64x64xf32>
    %get3A_2 = arith.constant 0 : index
    %get3A_3 = arith.constant 0 : index
    %get3A_4 = vector.load %arg1[%get3A_2, %get3A_3] : memref<64x16384xf32, #tpu.memory_space<vmem>>, vector<64x16384xf32>
    %dot_general3A = arith.constant dense<0.000000e+00> : vector<64x16384xf32>
    %dot_general3A_5 = tpu.matmul %get3A_1, %get3A_4, %dot_general3A {dimension_numbers = #tpu.dot_dimension_numbers<[1], [0], [0], [1], [0, 0, 1, 1], [], []>, transpose_lhs_hint = false} : vector<64x64xf32>, vector<64x16384xf32>, vector<64x16384xf32> -> vector<64x16384xf32>
    %get3A_6 = arith.constant 0 : index
    %get3A_7 = arith.constant 0 : index
    %get3A_8 = vector.load %arg3[%get3A_6, %get3A_7] : memref<64x1xf32, #tpu.memory_space<vmem>>, vector<64x1xf32>
    %add3A = vector.broadcast %get3A_8 : vector<64x1xf32> to vector<64x16384xf32>
    %add3A_9 = arith.addf %dot_general3A_5, %add3A : vector<64x16384xf32>
    %mul3A = arith.constant 0.00999999977 : f32
    %mul3A_10 = vector.broadcast %mul3A : f32 to vector<64x16384xf32>
    %mul3A_11 = arith.mulf %mul3A_10, %add3A_9 : vector<64x16384xf32>
    %max3A = arith.maximumf %add3A_9, %mul3A_11 : vector<64x16384xf32>
    %get3A_12 = arith.constant 0 : index
    %get3A_13 = arith.constant 0 : index
    %get3A_14 = vector.load %arg4[%get3A_12, %get3A_13] : memref<1x64xf32, #tpu.memory_space<vmem>>, vector<1x64xf32>
    %dot_general3A_15 = arith.constant dense<0.000000e+00> : vector<1x16384xf32>
    %dot_general3A_16 = tpu.matmul %get3A_14, %max3A, %dot_general3A_15 {dimension_numbers = #tpu.dot_dimension_numbers<[1], [0], [0], [1], [0, 0, 1, 1], [], []>, transpose_lhs_hint = false} : vector<1x64xf32>, vector<64x16384xf32>, vector<1x16384xf32> -> vector<1x16384xf32>
    %squeeze3A = vector.shape_cast %dot_general3A_16 : vector<1x16384xf32> to vector<16384xf32>
    %get3A_17 = arith.constant 0 : index
    %get3A_18 = vector.load %arg5[%get3A_17] : memref<1xf32, #tpu.memory_space<vmem>>, vector<1xf32>
    %add3A_19 = vector.broadcast %get3A_18 : vector<1xf32> to vector<16384xf32>
    %add3A_20 = arith.addf %squeeze3A, %add3A_19 : vector<16384xf32>
    %swap3A = arith.constant 0 : index
    %swap3A_21 = vector.load %arg6[%swap3A] : memref<16384xf32, #tpu.memory_space<vmem>>, vector<16384xf32>
    tpu.vector_store %arg6[%swap3A], %add3A_20 {strides = array<i32>} : memref<16384xf32, #tpu.memory_space<vmem>>, vector<16384xf32>,
    return
  }
  func.func @transform_0(%arg0: i32) -> (i32, i32) {
    %c0_i32 = arith.constant 0 : i32
    %c0_i32_0 = arith.constant 0 : i32
    return %c0_i32, %arg0 : i32, i32
  }
  func.func @transform_1(%arg0: i32) -> (i32, i32) {
    %c0_i32 = arith.constant 0 : i32
    %c0_i32_0 = arith.constant 0 : i32
    %c0_i32_1 = arith.constant 0 : i32
    return %c0_i32, %c0_i32_0 : i32, i32
  }
  func.func @transform_2(%arg0: i32) -> (i32, i32) {
    %c0_i32 = arith.constant 0 : i32
    %c0_i32_0 = arith.constant 0 : i32
    %c0_i32_1 = arith.constant 0 : i32
    return %c0_i32, %c0_i32_0 : i32, i32
  }
  func.func @transform_3(%arg0: i32) -> (i32, i32) {
    %c0_i32 = arith.constant 0 : i32
    %c0_i32_0 = arith.constant 0 : i32
    %c0_i32_1 = arith.constant 0 : i32
    return %c0_i32, %c0_i32_0 : i32, i32
  }
  func.func @transform_4(%arg0: i32) -> i32 {
    %c0_i32 = arith.constant 0 : i32
    %c0_i32_0 = arith.constant 0 : i32
    return %c0_i32 : i32
  }
  func.func @transform_5(%arg0: i32) -> i32 {
    %c0_i32 = arith.constant 0 : i32
    return %arg0 : i32
  }
}

</mosaic_0001>

<sc_bundles>
// kernel: kernel.10.cloned.1.call-start
scs
__scs_entry_jumppad:
0x0: {  	(pc) =	sbr.rel $0x88, $3  }
0x1: {  	(tag) =	ssettag $0x0;
	lr =	simm.s32 $0x1  }
0x2: {  	[smem:$0x3F98] =	sst lr;
	_ =	strace $0xD0000000  }
0x3: {  	_ = 	snop  }
0x4: {  	_ = 	snop  }
0x5: {  	_ = 	snop  }
0x6: {  	_ = 	snop  }
0x7: {  	_ = 	snop  }
__scs_overlays_trampoline_lowered:
0x8: {  	[smem:$0x3FA7] =	sst s0  }
0x9: {  	[smem:$0x3FA8] =	sst s1  }
0xa: {  	[smem:$0x3FA9] =	sst s2  }
0xb: {  	[smem:$0x3FAA] =	sst s3  }
0xc: {  	[smem:$0x3FAB] =	sst s4  }
0xd: {  	[smem:$0x3FAC] =	sst s5  }
0xe: {  	[smem:$0x3FAD] =	sst s6  }
0xf: {  	[smem:$0x3FAE] =	sst s7  }
0x10: {  	[smem:$0x3FAF] =	sst s8  }
0x11: {  	[smem:$0x3FB0] =	sst s9;
	s0 =	simm.s32 @!p0 $0x0  }
0x12: {  	s1 =	sld [smem:$0x3F96];
	s0 =	simm.s32 @p0 $0x1  }
0x13: {  	[smem:$0x3FB1] =	sst s0;
	s0 =	simm.s32 @!p1 $0x0  }
0x14: {  	s2 =	sld [smem:$0x3F95];
	s0 =	simm.s32 @p1 $0x1  }
0x15: {  	[smem:$0x3FB2] =	sst s0;
	s0 =	simm.s32 @!p2 $0x0  }
0x16: {  	s3 =	sld [smem:$0x3FDB];
	s0 =	simm.s32 @p2 $0x1  }
0x17: {  	s4 =	simm.s32 $0x1BF5;
	[smem:$0x3FB4] =	sst s0  }
0x18: {  	s0 =	sld [smem:$0x3F97];
	_ =	swait.ge [sflag:s4], $0x0  }
0x19: {  	s7 =	sld [smem:$0x3F98]  }
0x1a: {  	s8 =	sadd.s32 $0xFFFFE003, lr  }
0x1b: {  	s9 =	sadd.s32 $0xFFFFFEF7, lr;
	s5 =	simm.s32 $0xFFFFFFFF;
	p2 =	slt.u32 s8, $0xFFFFF086  }
0x1c: {  	p1 =	slt.u32 s9, $0xF7A;
	s5 =	simm.s32 @!p2 $0x0  }
0x1d: {  	s5 =	simm.s32 @p1 $0x1;
	p0 =	seq.s32 s7, s2  }
0x1e: {  	s7 =	smul.u32 @!p0 $0xF7A, s2;
	p2 =	seq.s32 @!p0 s5, $0x0  }
0x1f: {  	s9 =	smul.u32 $0xF7A, s1;
	s8 =	simm.s32 @!p0 $0x1BF5;
	p2 =	por !p2, p0  }
0x20: {  	[sflag:s8] =	ssyncset.s32 @!p0 $0xFFFFF086;
	s6 =	sadd.s32 @!p0 s3, s7;
	s7 =	simm.s32 @!p0 $0x108  }
0x21: {  	s3 =	sadd.s32 s3, s9;
	s6 =	sadd.s32 @!p0 $0x88, s6;
	s7 =	simm.s32 @p2 $0x1082  }
0x22: {  	[simem:s7], [sflag:s8] =	dma.local @!p0 [hbm:s6], $0xF7A  }
0x23: {  	s9 =	sor.u32 $0xD0000000, s2;
	s6 =	simm.s32 $0x108;
	_ =	swait.ge @!p0 [sflag:s8], $0x0  }
0x24: {  	s3 =	sadd.s32 $0x88, s3;
	s6 =	simm.s32 @!p1 $0x1082;
	[sflag:s4] =	ssyncset.s32 $0xFFFFF086  }
0x25: {  	[simem:s6], [sflag:s4] =	dma.local [hbm:s3], $0xF7A  }
0x26: {  	[smem:$0x3F98] =	sst s1;
	(tag) =	ssettag s2;
	_ =	strace s9  }
0x27: {  	s1 =	sld [smem:$0x3FA8]  }
0x28: {  	s2 =	sld [smem:$0x3FA9]  }
0x29: {  	s4 =	sld [smem:$0x3FAB]  }
0x2a: {  	p0 =	seq.s32 s5, $0x0;
	s5 =	sld [smem:$0x3FAC]  }
0x2b: {  	s6 =	sld [smem:$0x3FAD]  }
0x2c: {  	s7 =	sld [smem:$0x3FAE]  }
0x2d: {  	s3 =	simm.s32 $0x108;
	s8 =	sld [smem:$0x3FAF]  }
0x2e: {  	s3 =	simm.s32 @!p0 $0x1082;
	s9 =	sld [smem:$0x3FB0]  }
0x2f: {  	lr =	sadd.s32 s0, s3;
	s0 =	sld [smem:$0x3FA7]  }
0x30: {  	s3 =	sld [smem:$0x3FAA]  }
0x31: {  	[smem:$0x3FB3] =	sst s10  }
0x32: {  	s10 =	sld [smem:$0x3FB1];
	_ =	sdelay $0x3  }
0x33: {  	p0 =	seq.s32 s10, $0x1;
	s10 =	sld [smem:$0x3FB3];
	_ =	sdelay $0x3  }
0x34: {  	[smem:$0x3FB3] =	sst s10  }
0x35: {  	s10 =	sld [smem:$0x3FB2];
	_ =	sdelay $0x3  }
0x36: {  	p1 =	seq.s32 s10, $0x1;
	s10 =	sld [smem:$0x3FB3];
	_ =	sdelay $0x3  }
0x37: {  	[smem:$0x3FB3] =	sst s10  }
0x38: {  	s10 =	sld [smem:$0x3FB4]  }
0x39: {  	_ = 	snop;
	(pc) =	sbr.ind lr, $3  }
0x3a: {  	_ = 	snop  }
0x3b: {  	_ = 	snop  }
0x3c: {  	p2 =	seq.s32 s10, $0x1;
	s10 =	sld [smem:$0x3FB3]  }
0x3d: {  	_ =	shalt  }
0x3e: {  	_ =	shalt  }
0x3f: {  	_ =	shalt  }
0x40: {  	_ =	shalt  }
0x41: {  	_ =	shalt  }
0x42: {  	_ =	shalt  }
0x43: {  	_ =	shalt  }
0x44: {  	_ =	shalt  }
0x45: {  	_ =	shalt  }
0x46: {  	_ =	shalt  }
0x47: {  	_ =	shalt  }
0x48: {  	_ =	shalt  }
0x49: {  	_ =	shalt  }
0x4a: {  	_ =	shalt  }
0x4b: {  	_ =	shalt  }
0x4c: {  	_ =	shalt  }
0x4d: {  	_ =	shalt  }
0x4e: {  	_ =	shalt  }
0x4f: {  	_ =	shalt  }
0x50: {  	_ =	shalt  }
0x51: {  	_ =	shalt  }
0x52: {  	_ =	shalt  }
0x53: {  	_ =	shalt  }
0x54: {  	_ =	shalt  }
0x55: {  	_ =	shalt  }
0x56: {  	_ =	shalt  }
0x57: {  	_ =	shalt  }
0x58: {  	_ =	shalt  }
0x59: {  	_ =	shalt  }
0x5a: {  	_ =	shalt  }
0x5b: {  	_ =	shalt  }
0x5c: {  	_ =	shalt  }
0x5d: {  	_ =	shalt  }
0x5e: {  	_ =	shalt  }
0x5f: {  	_ =	shalt  }
0x60: {  	_ =	shalt  }
0x61: {  	_ =	shalt  }
0x62: {  	_ =	shalt  }
0x63: {  	_ =	shalt  }
0x64: {  	_ =	shalt  }
0x65: {  	_ =	shalt  }
0x66: {  	_ =	shalt  }
0x67: {  	_ =	shalt  }
0x68: {  	_ =	shalt  }
0x69: {  	_ =	shalt  }
0x6a: {  	_ =	shalt  }
0x6b: {  	_ =	shalt  }
0x6c: {  	_ =	shalt  }
0x6d: {  	_ =	shalt  }
0x6e: {  	_ =	shalt  }
0x6f: {  	_ =	shalt  }
0x70: {  	_ =	shalt  }
0x71: {  	_ =	shalt  }
0x72: {  	_ =	shalt  }
0x73: {  	_ =	shalt  }
0x74: {  	_ =	shalt  }
0x75: {  	_ =	shalt  }
0x76: {  	_ =	shalt  }
0x77: {  	_ =	shalt  }
0x78: {  	_ =	shalt  }
0x79: {  	_ =	shalt  }
0x7a: {  	_ =	shalt  }
0x7b: {  	_ =	shalt  }
0x7c: {  	_ =	shalt  }
0x7d: {  	_ =	shalt  }
0x7e: {  	_ =	shalt  }
0x7f: {  	_ =	shalt  }
0x80: {  	_ =	shalt  }
0x81: {  	_ =	shalt  }
0x82: {  	_ =	shalt  }
0x83: {  	_ =	shalt  }
0x84: {  	_ =	shalt  }
0x85: {  	_ =	shalt  }
0x86: {  	_ =	shalt  }
0x87: {  	_ =	shalt  }
.Lfunc_end0:
.L_simem_size_0:
called_computation.1_lowered:
.L_overlay_start_0:
0x88: {  	s2 =	sld [smem:$0x3FD9]  }
0x89: {  	s3 =	sld [smem:$0x3FFE];
	_ =	sdelay $0x1  }
0x8a: {  	s1 =	srdreg.scid  }
0x8b: {  	s0 =	sand.u32 $0x1, s1  }
0x8c: {  	s17 =	sshll.u32 s0, $0xA;
	s2 =	sadd.s32 s3, s2  }
0x8d: {  	s2 =	sadd.s32 s2, s17  }
0x8e: {  	[smem:$0x3FBF] =	sst s2  }
0x8f: {  	_ = 	snop  }
0x90: {  	s2 =	sld [smem:$0x3FC9]  }
0x91: {  	s18 =	sld [smem:$0x3FD0];
	(tm) =	ssettm $0x1  }
0x92: {  	s4 =	sld [smem:$0x3FFB];
	_ =	sdelay $0x3  }
0x93: {  	_ =	strace s4  }
0x94: {  	s4 =	sld [smem:$0x3FFC];
	_ =	sdelay $0x3  }
0x95: {  	_ =	strace s4  }
0x96: {  	s4 =	sld [smem:$0x3FFD];
	_ =	sdelay $0x3  }
0x97: {  	_ =	strace s4  }
0x98: {  	_ =	strace $0x8FFFFFFF  }
0x99: {  	s19 =	sld [smem:$0x3FDB];
	_ =	sdelay $0x1  }
0x9a: {  	s5 =	simm.s32 $_scs_section_size  }
0x9b: {  	s6 =	simm.s32 $_size__tile_overlayer_lowered;
	s7 =	simm.s32 $_tile_overlayer_lowered  }
0x9c: {  	s22 =	simm.s32 $0x1BFF;
	s21 =	sshll.u32 s7, $0x1;
	s4 =	sadd.s32 s5, s19  }
0x9d: {  	s8 =	simm.s32 $0x0;
	s20 =	sshll.u32 s6, $0x1;
	s6 =	sadd.s32 s21, s4  }
0x9e: {  	[timem:s8], [sflag:s22] =	dma.local [hbm:s6], s20  }
0x9f: {  	_ =	swait.ge [sflag:s22], s20  }
0xa0: {  	s5 =	ssub.s32 $0x0, s20;
	[sflag:s22] =	ssyncset.done $0x0  }
0xa1: {  	[sflag:s22] =	ssyncadd.s32 s5;
	_ =	sdelay $0x1  }
0xa2: {  	s23 =	simm.s32 $0x1B8B  }
0xa3: {  	_ =	swait.ge [sflag:s23], $0x1  }
0xa4: {  	[sflag:s23] =	ssyncset.done $0x0  }
0xa5: {  	s25 =	simm.s32 $0x1B8E;
	s24 =	sld [smem:$0x3FFE];
	[sflag:s23] =	ssyncadd.s32 $0xFFFFFFFF  }
0xa6: {  	s26 =	simm.s32 $execute0_lowered;
	[smem:$0x3FD2] =	sst s25  }
0xa7: {  	s6 =	sshll.u32 s26, $0x1;
	_ =	strace $0x80000049;
	[dreg:$0x1] =	wrdreg $0xFFFFFFFF  }
0xa8: {  	s28 =	simm.s32 $_size_execute0_lowered;
	s4 =	sadd.s32 s4, s6;
	[dreg:$0x0] =	wrdreg $0x0  }
0xa9: {  	s6 =	sshll.u32 s28, $0x1;
	[dreg:$0x2] =	wrdreg s4  }
0xaa: {  	[dreg:$0x3] =	wrdreg s6  }
0xab: {  	[dreg:$0x4] =	wrdreg $0xC0  }
0xac: {  	_ =	task [dreg:s8], $0x5FFFF  }
0xad: {  	[dreg:$0x1] =	wrdreg $0xFFFFFFFF  }
0xae: {  	[dreg:$0x0] =	wrdreg $0x60  }
0xaf: {  	[dreg:$0x2] =	wrdreg s2  }
0xb0: {  	[dreg:$0x3] =	wrdreg s24  }
0xb1: {  	[dreg:$0x4] =	wrdreg s18  }
0xb2: {  	[dreg:$0x5] =	wrdreg $0x9  }
0xb3: {  	_ =	task.clear_ibuf [dreg:s8], $0x6FFFF;
	_ =	strace $0x90000049  }
0xb4: {  	s29 =	simm.s32 $0x9;
	_ =	strace $0x8000004B  }
0xb5: {  	_ =	swait.ge [sflag:s29], $0x1  }
0xb6: {  	[sflag:s29] =	ssyncadd.s32 $0xFFFFFFFF  }
0xb7: {  	_ =	strace $0x9000004B  }
0xb8: {  	_ =	sfence  }
0xb9: {  	s30 =	sld [smem:$0x0];
	_ =	sdelay $0x2  }
0xba: {  	s31 =	sshll.u32 s1, $0xD;
	s1 =	sshrl.u32 s1, $0x2  }
0xbb: {  	s3 =	sand.u32 $0x4000, s31;
	s1 =	sadd.s32 s1, s30  }
0xbc: {  	s0 =	sor.u32 s3, s0;
	s1 =	sshll.u32 s1, $0x11  }
0xbd: {  	s0 =	sor.u32 s1, s0  }
0xbe: {  	s0 =	sadd.s32 $0x8F2B, s0  }
0xbf: {  	[sflag:s0] =	ssyncadd.remote.s32 $0x1  }
0xc0: {  	_ =	sfence.sel $0xFFFF  }
0xc1: {  	[dreg:$0x0] =	wrdreg $0xFFFFFFFF;
	(pc) =	sbr.abs _section_cstart, $3  }
0xc2: {  	[dreg:$0x1] =	wrdreg $0xFFFFFFFF  }
0xc3: {  	_ =	task.clear_ibuf [dreg:s8], $0x2FFFF;
	_ =	strace $0x9FFFFFFF  }
0xc4: {  	(tm) =	ssettm $0x7FFFFFFF  }
0xc5: {  	_ =	shalt  }
tec
execute0_lowered:
.L_overlay_start_1:
0x0: {  	(tag) =	ssettag $0x1  }
0x1: {  	s4 =	rddreg [dreg:$0x0]  }
0x2: {  	s5 =	rddreg [dreg:$0x1]  }
0x3: {  	s7 =	rddreg [dreg:$0x2]  }
0x4: {  	s0 =	rddreg [dreg:$0x3];
	s3 =	srdreg.scid  }
0x5: {  	s2 =	simm.s32 $0x0;
	s1 =	stileid.u32;
	s11 =	simm.s32 $0x200  }
0x6: {  	s12 =	simm.s32 $0x280;
	s13 =	simm.s32 $0x100;
	s14 =	simm.s32 $0x300  }
0x7: {  	s15 =	simm.s32 $0x180;
	s16 =	simm.s32 $0x380;
	s17 =	simm.s32 $0x400  }
0x8: {  	s18 =	simm.s32 $0x600;
	s19 =	simm.s32 $0x1;
	s20 =	simm.s32 $0x2  }
0x9: {  	s3 =	sand.u32 $0x1, s3;
	[smem:$0x7FF] =	sst s2;
	s6 =	sshll.u32 s1, $0x7  }
0xa: {  	s8 =	sshll.u32 s3, $0x6;
	_ =	strace $0x8000004A;
	s30 =	ssub.s32 $0x2, s3  }
0xb: {  	s3 =	sadd.s32 $0x5400, s5;
	s8 =	sor.u32 s8, s6;
	s31 =	sshrl.u32 s30, $0x1  }
0xc: {  	s9 =	sadd.s32 s8, s5;
	s10 =	ssub.s32 s30, s31;
	s4 =	sadd.s32 s4, s8  }
0xd: {  	s7 =	sadd.s32 s7, s8;
	s5 =	sadd.s32 $0x4C00, s9;
	s6 =	sadd.s32 $0x25400, s9  }
0xe: {  	s8 =	smax.u32 s10, $0x1;
	s9 =	simm.s32 $0x3;
	s10 =	simm.s32 $0x80  }
.LBB2_1:
0xf: {  	[tilespmem:s2], [sflag:$0x3] =	stream.linear.gather [hbm4b:s4+s2], $0x200, $0x38;
	[tilespmem:$0x800] =	vst v63  }
0x10: {  	_ =	swait.ge [sflag:s9], $0x200  }
0x11: {  	[sflag:s9] =	ssyncset.done $0x0  }
0x12: {  	[sflag:s9] =	ssyncadd.s32 $0xFFFFFE00  }
0x13: {  	[tilespmem:s11], [sflag:$0x1] =	stream.indirect.gather [hbm4b:s3+s10], $0x1, s2, s10, $0xb8;
	[tilespmem:$0x800] =	vst v63  }
0x14: {  	_ = 	snop  }
0x15: {  	[tilespmem:s12], [sflag:$0x1] =	stream.indirect.gather [hbm4b:s3+s10], $0x1, s10, s10, $0xb8;
	[tilespmem:$0x800] =	vst v63  }
0x16: {  	_ = 	snop  }
0x17: {  	[tilespmem:s14], [sflag:$0x1] =	stream.indirect.gather [hbm4b:s3+s10], $0x1, s13, s10, $0xb8;
	[tilespmem:$0x800] =	vst v63  }
0x18: {  	_ = 	snop  }
0x19: {  	[tilespmem:s16], [sflag:$0x1] =	stream.indirect.gather [hbm4b:s3+s10], $0x1, s15, s10, $0xb8;
	[tilespmem:$0x800] =	vst v63  }
0x1a: {  	_ = 	snop  }
0x1b: {  	[tilespmem:s17], [sflag:$0x2] =	stream.linear.gather [hbm4b:s5+s2], $0x200, $0x38;
	[tilespmem:$0x800] =	vst v63  }
0x1c: {  	_ = 	snop  }
0x1d: {  	[tilespmem:s18], [sflag:$0x2] =	stream.linear.gather [hbm4b:s6+s2], $0x200, $0x38;
	[tilespmem:$0x800] =	vst v63  }
0x1e: {  	_ =	swait.ge [sflag:s19], $0x80  }
0x1f: {  	[sflag:s19] =	ssyncset.done $0x0  }
0x20: {  	[sflag:s19] =	ssyncadd.s32 $0xFFFFFF80  }
0x21: {  	_ =	swait.ge [sflag:s19], $0x80  }
0x22: {  	[sflag:s19] =	ssyncset.done $0x0  }
0x23: {  	[sflag:s19] =	ssyncadd.s32 $0xFFFFFF80  }
0x24: {  	_ =	swait.ge [sflag:s19], $0x80  }
0x25: {  	[sflag:s19] =	ssyncset.done $0x0  }
0x26: {  	[sflag:s19] =	ssyncadd.s32 $0xFFFFFF80  }
0x27: {  	_ =	swait.ge [sflag:s19], $0x80  }
0x28: {  	[sflag:s19] =	ssyncset.done $0x0  }
0x29: {  	[sflag:s19] =	ssyncadd.s32 $0xFFFFFF80  }
0x2a: {  	_ =	swait.ge [sflag:s20], $0x200  }
0x2b: {  	[sflag:s20] =	ssyncset.done $0x0  }
0x2c: {  	[sflag:s20] =	ssyncadd.s32 $0xFFFFFE00  }
0x2d: {  	_ =	swait.ge [sflag:s20], $0x200  }
0x2e: {  	[sflag:s20] =	ssyncset.done $0x0  }
0x2f: {  	[sflag:s20] =	ssyncadd.s32 $0xFFFFFE00  }
0x30: {  	v0 =	vld [tilespmem:$0x200]  }
0x31: {  	v1 =	vld [tilespmem:$0x400]  }
0x32: {  	v2 =	vld [tilespmem:$0x600]  }
0x33: {  	v3 =	vld [tilespmem:$0x210]  }
0x34: {  	v4 =	vld [tilespmem:$0x410]  }
0x35: {  	v5 =	vld [tilespmem:$0x610]  }
0x36: {  	v6 =	vld [tilespmem:$0x220]  }
0x37: {  	v7 =	vld [tilespmem:$0x420]  }
0x38: {  	v8 =	vld [tilespmem:$0x620]  }
0x39: {  	v9 =	vld [tilespmem:$0x230]  }
0x3a: {  	v10 =	vld [tilespmem:$0x430]  }
0x3b: {  	v11 =	vld [tilespmem:$0x630]  }
0x3c: {  	v12 =	vld [tilespmem:$0x240]  }
0x3d: {  	v13 =	vld [tilespmem:$0x440]  }
0x3e: {  	v14 =	vld [tilespmem:$0x640]  }
0x3f: {  	v15 =	vld [tilespmem:$0x250]  }
0x40: {  	v16 =	vld [tilespmem:$0x450]  }
0x41: {  	v17 =	vld [tilespmem:$0x650]  }
0x42: {  	v18 =	vld [tilespmem:$0x260]  }
0x43: {  	v19 =	vld [tilespmem:$0x460]  }
0x44: {  	v20 =	vld [tilespmem:$0x660]  }
0x45: {  	v21 =	vld [tilespmem:$0x270]  }
0x46: {  	v22 =	vld [tilespmem:$0x470]  }
0x47: {  	v23 =	vld [tilespmem:$0x670]  }
0x48: {  	v24 =	vld [tilespmem:$0x280]  }
0x49: {  	v25 =	vld [tilespmem:$0x480]  }
0x4a: {  	v26 =	vld [tilespmem:$0x680]  }
0x4b: {  	v27 =	vld [tilespmem:$0x290]  }
0x4c: {  	v28 =	vld [tilespmem:$0x490]  }
0x4d: {  	v29 =	vld [tilespmem:$0x690]  }
0x4e: {  	v30 =	vld [tilespmem:$0x2A0]  }
0x4f: {  	v31 =	vld [tilespmem:$0x4A0]  }
0x50: {  	v32 =	vld [tilespmem:$0x6A0]  }
0x51: {  	v33 =	vld [tilespmem:$0x2B0]  }
0x52: {  	v34 =	vld [tilespmem:$0x4B0]  }
0x53: {  	v35 =	vld [tilespmem:$0x6B0]  }
0x54: {  	v36 =	vld [tilespmem:$0x2C0]  }
0x55: {  	v37 =	vld [tilespmem:$0x4C0]  }
0x56: {  	v38 =	vld [tilespmem:$0x6C0]  }
0x57: {  	v39 =	vld [tilespmem:$0x2D0]  }
0x58: {  	v40 =	vld [tilespmem:$0x4D0]  }
0x59: {  	v41 =	vld [tilespmem:$0x6D0]  }
0x5a: {  	v42 =	vld [tilespmem:$0x2E0]  }
0x5b: {  	v43 =	vld [tilespmem:$0x4E0]  }
0x5c: {  	v44 =	vld [tilespmem:$0x6E0]  }
0x5d: {  	v45 =	vld [tilespmem:$0x2F0]  }
0x5e: {  	v46 =	vld [tilespmem:$0x4F0]  }
0x5f: {  	v47 =	vld [tilespmem:$0x6F0]  }
0x60: {  	v48 =	vld [tilespmem:$0x300]  }
0x61: {  	v49 =	vld [tilespmem:$0x500]  }
0x62: {  	v53 =	vld [tilespmem:$0x700]  }
0x63: {  	v51 =	vld [tilespmem:$0x310]  }
0x64: {  	v52 =	vld [tilespmem:$0x510]  }
0x65: {  	v56 =	vld [tilespmem:$0x710]  }
0x66: {  	v54 =	vld [tilespmem:$0x320]  }
0x67: {  	v55 =	vld [tilespmem:$0x520]  }
0x68: {  	v62 =	vld [tilespmem:$0x720]  }
0x69: {  	v57 =	vld [tilespmem:$0x330]  }
0x6a: {  	v58 =	vld [tilespmem:$0x530]  }
0x6b: {  	v63 =	vld [tilespmem:$0x740]  }
0x6c: {  	v50 =	vld [tilespmem:$0x730]  }
0x6d: {  	v59 =	vld [tilespmem:$0x750]  }
0x6e: {  	v60 =	vld [tilespmem:$0x340]  }
0x6f: {  	v61 =	vld [tilespmem:$0x540]  }
0x70: {  	[tilespmem:$0x1FFE0] =	vst v63;
	v63 =	vld [tilespmem:$0x350]  }
0x71: {  	[tilespmem:$0x1FFD0] =	vst v50;
	v50 =	vld [tilespmem:$0x550]  }
0x72: {  	[tilespmem:$0x1FFF0] =	vst v59;
	v59 =	vld [tilespmem:$0x360]  }
0x73: {  	v0 =	vadd.f32 v1, v0;
	v1 =	vld [tilespmem:$0x560]  }
0x74: {  	v3 =	vadd.f32 v4, v3;
	v4 =	vld [tilespmem:$0x760]  }
0x75: {  	v54 =	vadd.f32 v55, v54;
	v55 =	vld [tilespmem:$0x5C0]  }
0x76: {  	v0 =	vadd.f32 v2, v0;
	v2 =	vadd.f32 v7, v6;
	v6 =	vld [tilespmem:$0x370]  }
0x77: {  	v12 =	vadd.f32 v13, v12;
	v7 =	vld [tilespmem:$0x570]  }
0x78: {  	v3 =	vadd.f32 v5, v3;
	v5 =	vadd.f32 v10, v9;
	v9 =	vld [tilespmem:$0x380]  }
0x79: {  	v15 =	vadd.f32 v16, v15;
	v10 =	vld [tilespmem:$0x580]  }
0x7a: {  	v18 =	vadd.f32 v19, v18;
	v16 =	vadd.f32 v14, v12;
	v12 =	vld [tilespmem:$0x390];
	[tilespmem:$0x200] =	vst v0  }
0x7b: {  	v21 =	vadd.f32 v22, v21;
	v19 =	vadd.f32 v17, v15;
	v15 =	vld [tilespmem:$0x3A0];
	[tilespmem:$0x210] =	vst v3  }
0x7c: {  	v24 =	vadd.f32 v25, v24;
	v22 =	vadd.f32 v20, v18;
	v17 =	vld [tilespmem:$0x7A0];
	[tilespmem:$0x240] =	vst v16  }
0x7d: {  	v27 =	vadd.f32 v28, v27;
	v25 =	vadd.f32 v23, v21;
	v18 =	vld [tilespmem:$0x3B0];
	[tilespmem:$0x250] =	vst v19  }
0x7e: {  	v30 =	vadd.f32 v31, v30;
	v28 =	vadd.f32 v26, v24;
	v20 =	vld [tilespmem:$0x7B0];
	[tilespmem:$0x260] =	vst v22  }
0x7f: {  	v33 =	vadd.f32 v34, v33;
	v31 =	vadd.f32 v29, v27;
	v21 =	vld [tilespmem:$0x3C0];
	[tilespmem:$0x270] =	vst v25  }
0x80: {  	v36 =	vadd.f32 v37, v36;
	v34 =	vadd.f32 v32, v30;
	v30 =	vld [tilespmem:$0x7C0];
	[tilespmem:$0x280] =	vst v28  }
0x81: {  	v39 =	vadd.f32 v40, v39;
	v37 =	vadd.f32 v35, v33;
	v33 =	vld [tilespmem:$0x3D0];
	[tilespmem:$0x290] =	vst v31  }
0x82: {  	v42 =	vadd.f32 v43, v42;
	v40 =	vadd.f32 v38, v36;
	v36 =	vld [tilespmem:$0x5D0];
	[tilespmem:$0x2A0] =	vst v34  }
0x83: {  	v45 =	vadd.f32 v46, v45;
	v43 =	vadd.f32 v41, v39;
	v38 =	vld [tilespmem:$0x7D0];
	[tilespmem:$0x2B0] =	vst v37  }
0x84: {  	v48 =	vadd.f32 v49, v48;
	v46 =	vadd.f32 v44, v42;
	v39 =	vld [tilespmem:$0x1FFF0];
	[tilespmem:$0x2C0] =	vst v40  }
0x85: {  	v49 =	vadd.f32 v47, v45;
	v41 =	vld [tilespmem:$0x3E0];
	[tilespmem:$0x2D0] =	vst v43  }
0x86: {  	v53 =	vadd.f32 v53, v48;
	v44 =	vld [tilespmem:$0x5E0];
	[tilespmem:$0x2E0] =	vst v46  }
0x87: {  	v52 =	vadd.f32 v52, v51;
	v0 =	vadd.f32 v8, v2;
	[tilespmem:$0x2F0] =	vst v49;
	v34 =	vld [tilespmem:$0x1FFD0]  }
0x88: {  	v29 =	vadd.f32 v58, v57;
	v13 =	vadd.f32 v11, v5;
	[tilespmem:$0x300] =	vst v53;
	v37 =	vld [tilespmem:$0x1FFE0]  }
0x89: {  	v8 =	vld [tilespmem:$0x770];
	v28 =	vadd.f32 v56, v52;
	v1 =	vadd.f32 v1, v59;
	[tilespmem:$0x220] =	vst v0  }
0x8a: {  	v32 =	vadd.f32 v61, v60;
	v11 =	vld [tilespmem:$0x780];
	v31 =	vadd.f32 v62, v54;
	[tilespmem:$0x230] =	vst v13  }
0x8b: {  	v47 =	vld [tilespmem:$0x3F0];
	v35 =	vadd.f32 v50, v63;
	[tilespmem:$0x310] =	vst v28;
	v42 =	vadd.f32 v4, v1  }
0x8c: {  	v16 =	vld [tilespmem:$0x5A0];
	[tilespmem:$0x320] =	vst v31;
	v40 =	vadd.f32 v7, v6;
	v3 =	vadd.f32 v34, v29  }
0x8d: {  	v53 =	vld [tilespmem:$0x7E0];
	v43 =	vadd.f32 v10, v9;
	v0 =	vadd.f32 v37, v32;
	[tilespmem:$0x360] =	vst v42  }
0x8e: {  	v19 =	vld [tilespmem:$0x5B0];
	v55 =	vadd.f32 v55, v21;
	v45 =	vadd.f32 v8, v40;
	[tilespmem:$0x330] =	vst v3  }
0x8f: {  	v50 =	vld [tilespmem:$0x5F0];
	v58 =	vadd.f32 v36, v33;
	v48 =	vadd.f32 v11, v43;
	[tilespmem:$0x340] =	vst v0  }
0x90: {  	v13 =	vld [tilespmem:$0x590];
	v60 =	vadd.f32 v44, v41;
	v59 =	vadd.f32 v30, v55;
	[tilespmem:$0x370] =	vst v45  }
0x91: {  	v56 =	vld [tilespmem:$0x7F0];
	v2 =	vadd.f32 v38, v58;
	[tilespmem:$0x380] =	vst v48  }
0x92: {  	v14 =	vld [tilespmem:$0x790];
	v49 =	vadd.f32 v16, v15;
	v62 =	vadd.f32 v53, v60;
	[tilespmem:$0x3C0] =	vst v59  }
0x93: {  	v52 =	vadd.f32 v19, v18;
	v3 =	vadd.f32 v39, v35;
	[tilespmem:$0x3D0] =	vst v2  }
0x94: {  	v61 =	vadd.f32 v50, v47;
	v54 =	vadd.f32 v17, v49;
	[tilespmem:$0x3E0] =	vst v62  }
0x95: {  	v46 =	vadd.f32 v13, v12;
	v57 =	vadd.f32 v20, v52;
	[tilespmem:$0x350] =	vst v3  }
0x96: {  	v63 =	vadd.f32 v56, v61;
	[tilespmem:$0x3A0] =	vst v54  }
0x97: {  	v51 =	vadd.f32 v14, v46;
	[tilespmem:$0x3B0] =	vst v57  }
0x98: {  	p0 =	sne.s32 s8, $0x1;
	[tilespmem:$0x3F0] =	vst v63  }
.Ltmp0:
0x99: {  	[tilespmem:$0x390] =	vst v51;
	(pc) =	sbr.rel @p0 .LBB2_1-.Ltmp0, $4  }
0x9a: {  	[hbm4b:s7+s2] =	stream.linear.scatter [tilespmem:s11], [sflag:$0x3], $0x200, $0x38;
	[tilespmem:$0x800] =	vst v63  }
0x9b: {  	_ =	swait.ge [sflag:s9], $0x200  }
0x9c: {  	[sflag:s9] =	ssyncset.done $0x0  }
0x9d: {  	s8 =	sadd.s32 $0xFFFFFFFF, s8;
	[sflag:s9] =	ssyncadd.s32 $0xFFFFFE00  }
0x9e: {  	_ =	sfence.sel $0x180000  }
0x9f: {  	[bflag:$0x0] =	sbarrier.arrive $0xFFFF  }
0xa0: {  	p0 =	sne.s32 s1, $0x0;
	_ =	strace $0x9000004A  }
0xa1: {  	s0 =	sadd.s32 @!p0 $0x100000, s0;
	[bflag:$0x2] =	sbarrier.arrive $0xFFFF  }
0xa2: {  	[sflag:s0] =	ssyncadd.tile.s32 @!p0 $0x1;
	_ =	shalt  }
.Lfunc_end2:
_tile_overlayer_lowered:
.L_overlay_start_2:
0xa3: {  	(tag) =	ssettag $0x2  }
0xa4: {  	s0 =	rddreg [dreg:$0x0];
	s2 =	stileid.u32  }
0xa5: {  	s1 =	rddreg [dreg:$0x1];
	p0 =	sne.s32 s2, $0x0  }
0xa6: {  	s3 =	rddreg [dreg:$0x2];
	[bflag:$0x3] =	sbarrier.arrive $0xFFFF;
	s2 =	simm.s32 @!p0 $0x1C03  }
0xa7: {  	[timem:s3], [sflag:s2] =	dma.local @!p0 [hbm:s0], s1  }
0xa8: {  	s0 =	simm.s32 @!p0 $0x3  }
0xa9: {  	_ =	swait.ge @!p0 [sflag:s0], s1  }
0xaa: {  	s1 =	ssub.s32 @!p0 $0x0, s1;
	[sflag:s0] =	ssyncset.done @!p0 $0x0  }
0xab: {  	[sflag:s0] =	ssyncadd.s32 @!p0 s1  }
0xac: {  	[bflag:$0x3] =	sbarrier.arrive $0xFFFF  }
0xad: {  	_ =	shalt  }

// kernel: kernel.7.cloned.1.call-start
scs
__scs_entry_jumppad:
0x0: {  	(pc) =	sbr.rel $0x88, $3  }
0x1: {  	(tag) =	ssettag $0x0;
	lr =	simm.s32 $0x1  }
0x2: {  	[smem:$0x3F98] =	sst lr;
	_ =	strace $0xD0000000  }
0x3: {  	_ = 	snop  }
0x4: {  	_ = 	snop  }
0x5: {  	_ = 	snop  }
0x6: {  	_ = 	snop  }
0x7: {  	_ = 	snop  }
__scs_overlays_trampoline_lowered:
0x8: {  	[smem:$0x3FA7] =	sst s0  }
0x9: {  	[smem:$0x3FA8] =	sst s1  }
0xa: {  	[smem:$0x3FA9] =	sst s2  }
0xb: {  	[smem:$0x3FAA] =	sst s3  }
0xc: {  	[smem:$0x3FAB] =	sst s4  }
0xd: {  	[smem:$0x3FAC] =	sst s5  }
0xe: {  	[smem:$0x3FAD] =	sst s6  }
0xf: {  	[smem:$0x3FAE] =	sst s7  }
0x10: {  	[smem:$0x3FAF] =	sst s8  }
0x11: {  	[smem:$0x3FB0] =	sst s9;
	s0 =	simm.s32 @!p0 $0x0  }
0x12: {  	s1 =	sld [smem:$0x3F96];
	s0 =	simm.s32 @p0 $0x1  }
0x13: {  	[smem:$0x3FB1] =	sst s0;
	s0 =	simm.s32 @!p1 $0x0  }
0x14: {  	s2 =	sld [smem:$0x3F95];
	s0 =	simm.s32 @p1 $0x1  }
0x15: {  	[smem:$0x3FB2] =	sst s0;
	s0 =	simm.s32 @!p2 $0x0  }
0x16: {  	s3 =	sld [smem:$0x3FDB];
	s0 =	simm.s32 @p2 $0x1  }
0x17: {  	s4 =	simm.s32 $0x1BF5;
	[smem:$0x3FB4] =	sst s0  }
0x18: {  	s0 =	sld [smem:$0x3F97];
	_ =	swait.ge [sflag:s4], $0x0  }
0x19: {  	s7 =	sld [smem:$0x3F98]  }
0x1a: {  	s8 =	sadd.s32 $0xFFFFE003, lr  }
0x1b: {  	s9 =	sadd.s32 $0xFFFFFEF7, lr;
	s5 =	simm.s32 $0xFFFFFFFF;
	p2 =	slt.u32 s8, $0xFFFFF086  }
0x1c: {  	p1 =	slt.u32 s9, $0xF7A;
	s5 =	simm.s32 @!p2 $0x0  }
0x1d: {  	s5 =	simm.s32 @p1 $0x1;
	p0 =	seq.s32 s7, s2  }
0x1e: {  	s7 =	smul.u32 @!p0 $0xF7A, s2;
	p2 =	seq.s32 @!p0 s5, $0x0  }
0x1f: {  	s9 =	smul.u32 $0xF7A, s1;
	s8 =	simm.s32 @!p0 $0x1BF5;
	p2 =	por !p2, p0  }
0x20: {  	[sflag:s8] =	ssyncset.s32 @!p0 $0xFFFFF086;
	s6 =	sadd.s32 @!p0 s3, s7;
	s7 =	simm.s32 @!p0 $0x108  }
0x21: {  	s3 =	sadd.s32 s3, s9;
	s6 =	sadd.s32 @!p0 $0x88, s6;
	s7 =	simm.s32 @p2 $0x1082  }
0x22: {  	[simem:s7], [sflag:s8] =	dma.local @!p0 [hbm:s6], $0xF7A  }
0x23: {  	s9 =	sor.u32 $0xD0000000, s2;
	s6 =	simm.s32 $0x108;
	_ =	swait.ge @!p0 [sflag:s8], $0x0  }
0x24: {  	s3 =	sadd.s32 $0x88, s3;
	s6 =	simm.s32 @!p1 $0x1082;
	[sflag:s4] =	ssyncset.s32 $0xFFFFF086  }
0x25: {  	[simem:s6], [sflag:s4] =	dma.local [hbm:s3], $0xF7A  }
0x26: {  	[smem:$0x3F98] =	sst s1;
	(tag) =	ssettag s2;
	_ =	strace s9  }
0x27: {  	s1 =	sld [smem:$0x3FA8]  }
0x28: {  	s2 =	sld [smem:$0x3FA9]  }
0x29: {  	s4 =	sld [smem:$0x3FAB]  }
0x2a: {  	p0 =	seq.s32 s5, $0x0;
	s5 =	sld [smem:$0x3FAC]  }
0x2b: {  	s6 =	sld [smem:$0x3FAD]  }
0x2c: {  	s7 =	sld [smem:$0x3FAE]  }
0x2d: {  	s3 =	simm.s32 $0x108;
	s8 =	sld [smem:$0x3FAF]  }
0x2e: {  	s3 =	simm.s32 @!p0 $0x1082;
	s9 =	sld [smem:$0x3FB0]  }
0x2f: {  	lr =	sadd.s32 s0, s3;
	s0 =	sld [smem:$0x3FA7]  }
0x30: {  	s3 =	sld [smem:$0x3FAA]  }
0x31: {  	[smem:$0x3FB3] =	sst s10  }
0x32: {  	s10 =	sld [smem:$0x3FB1];
	_ =	sdelay $0x3  }
0x33: {  	p0 =	seq.s32 s10, $0x1;
	s10 =	sld [smem:$0x3FB3];
	_ =	sdelay $0x3  }
0x34: {  	[smem:$0x3FB3] =	sst s10  }
0x35: {  	s10 =	sld [smem:$0x3FB2];
	_ =	sdelay $0x3  }
0x36: {  	p1 =	seq.s32 s10, $0x1;
	s10 =	sld [smem:$0x3FB3];
	_ =	sdelay $0x3  }
0x37: {  	[smem:$0x3FB3] =	sst s10  }
0x38: {  	s10 =	sld [smem:$0x3FB4]  }
0x39: {  	_ = 	snop;
	(pc) =	sbr.ind lr, $3  }
0x3a: {  	_ = 	snop  }
0x3b: {  	_ = 	snop  }
0x3c: {  	p2 =	seq.s32 s10, $0x1;
	s10 =	sld [smem:$0x3FB3]  }
0x3d: {  	_ =	shalt  }
0x3e: {  	_ =	shalt  }
0x3f: {  	_ =	shalt  }
0x40: {  	_ =	shalt  }
0x41: {  	_ =	shalt  }
0x42: {  	_ =	shalt  }
0x43: {  	_ =	shalt  }
0x44: {  	_ =	shalt  }
0x45: {  	_ =	shalt  }
0x46: {  	_ =	shalt  }
0x47: {  	_ =	shalt  }
0x48: {  	_ =	shalt  }
0x49: {  	_ =	shalt  }
0x4a: {  	_ =	shalt  }
0x4b: {  	_ =	shalt  }
0x4c: {  	_ =	shalt  }
0x4d: {  	_ =	shalt  }
0x4e: {  	_ =	shalt  }
0x4f: {  	_ =	shalt  }
0x50: {  	_ =	shalt  }
0x51: {  	_ =	shalt  }
0x52: {  	_ =	shalt  }
0x53: {  	_ =	shalt  }
0x54: {  	_ =	shalt  }
0x55: {  	_ =	shalt  }
0x56: {  	_ =	shalt  }
0x57: {  	_ =	shalt  }
0x58: {  	_ =	shalt  }
0x59: {  	_ =	shalt  }
0x5a: {  	_ =	shalt  }
0x5b: {  	_ =	shalt  }
0x5c: {  	_ =	shalt  }
0x5d: {  	_ =	shalt  }
0x5e: {  	_ =	shalt  }
0x5f: {  	_ =	shalt  }
0x60: {  	_ =	shalt  }
0x61: {  	_ =	shalt  }
0x62: {  	_ =	shalt  }
0x63: {  	_ =	shalt  }
0x64: {  	_ =	shalt  }
0x65: {  	_ =	shalt  }
0x66: {  	_ =	shalt  }
0x67: {  	_ =	shalt  }
0x68: {  	_ =	shalt  }
0x69: {  	_ =	shalt  }
0x6a: {  	_ =	shalt  }
0x6b: {  	_ =	shalt  }
0x6c: {  	_ =	shalt  }
0x6d: {  	_ =	shalt  }
0x6e: {  	_ =	shalt  }
0x6f: {  	_ =	shalt  }
0x70: {  	_ =	shalt  }
0x71: {  	_ =	shalt  }
0x72: {  	_ =	shalt  }
0x73: {  	_ =	shalt  }
0x74: {  	_ =	shalt  }
0x75: {  	_ =	shalt  }
0x76: {  	_ =	shalt  }
0x77: {  	_ =	shalt  }
0x78: {  	_ =	shalt  }
0x79: {  	_ =	shalt  }
0x7a: {  	_ =	shalt  }
0x7b: {  	_ =	shalt  }
0x7c: {  	_ =	shalt  }
0x7d: {  	_ =	shalt  }
0x7e: {  	_ =	shalt  }
0x7f: {  	_ =	shalt  }
0x80: {  	_ =	shalt  }
0x81: {  	_ =	shalt  }
0x82: {  	_ =	shalt  }
0x83: {  	_ =	shalt  }
0x84: {  	_ =	shalt  }
0x85: {  	_ =	shalt  }
0x86: {  	_ =	shalt  }
0x87: {  	_ =	shalt  }
.Lfunc_end0:
.L_simem_size_0:
called_computation_lowered:
.L_overlay_start_0:
0x88: {  	s2 =	sld [smem:$0x3FD9]  }
0x89: {  	s3 =	sld [smem:$0x3FFE];
	_ =	sdelay $0x1  }
0x8a: {  	s1 =	srdreg.scid  }
0x8b: {  	s0 =	sand.u32 $0x1, s1  }
0x8c: {  	s17 =	sshll.u32 s0, $0xA;
	s2 =	sadd.s32 s3, s2  }
0x8d: {  	s2 =	sadd.s32 s2, s17  }
0x8e: {  	[smem:$0x3FBF] =	sst s2  }
0x8f: {  	_ = 	snop  }
0x90: {  	s2 =	sld [smem:$0x3FC8];
	(tm) =	ssettm $0x1  }
0x91: {  	s18 =	sld [smem:$0x3FFB];
	_ =	sdelay $0x3  }
0x92: {  	_ =	strace s18  }
0x93: {  	s3 =	sld [smem:$0x3FFC];
	_ =	sdelay $0x3  }
0x94: {  	_ =	strace s3  }
0x95: {  	s3 =	sld [smem:$0x3FFD];
	_ =	sdelay $0x3  }
0x96: {  	_ =	strace s3  }
0x97: {  	_ =	strace $0x8FFFFFFF  }
0x98: {  	s19 =	sld [smem:$0x3FDB];
	_ =	sdelay $0x1  }
0x99: {  	s4 =	simm.s32 $_scs_section_size  }
0x9a: {  	s5 =	simm.s32 $_size__tile_overlayer_lowered;
	s6 =	simm.s32 $_tile_overlayer_lowered  }
0x9b: {  	s22 =	simm.s32 $0x1BFF;
	s21 =	sshll.u32 s6, $0x1;
	s3 =	sadd.s32 s4, s19  }
0x9c: {  	s7 =	simm.s32 $0x0;
	s20 =	sshll.u32 s5, $0x1;
	s5 =	sadd.s32 s21, s3  }
0x9d: {  	[timem:s7], [sflag:s22] =	dma.local [hbm:s5], s20  }
0x9e: {  	_ =	swait.ge [sflag:s22], s20  }
0x9f: {  	s4 =	ssub.s32 $0x0, s20;
	[sflag:s22] =	ssyncset.done $0x0  }
0xa0: {  	[sflag:s22] =	ssyncadd.s32 s4;
	_ =	sdelay $0x1  }
0xa1: {  	s23 =	simm.s32 $0x1B8B  }
0xa2: {  	_ =	swait.ge [sflag:s23], $0x1  }
0xa3: {  	[sflag:s23] =	ssyncset.done $0x0  }
0xa4: {  	s25 =	simm.s32 $0x1B8E;
	s24 =	sld [smem:$0x3FFE];
	[sflag:s23] =	ssyncadd.s32 $0xFFFFFFFF  }
0xa5: {  	s26 =	simm.s32 $execute0_lowered;
	[smem:$0x3FD2] =	sst s25  }
0xa6: {  	s5 =	sshll.u32 s26, $0x1;
	_ =	strace $0x80000046;
	[dreg:$0x1] =	wrdreg $0xFFFFFFFF  }
0xa7: {  	s28 =	simm.s32 $_size_execute0_lowered;
	s3 =	sadd.s32 s3, s5;
	[dreg:$0x0] =	wrdreg $0x0  }
0xa8: {  	s5 =	sshll.u32 s28, $0x1;
	[dreg:$0x2] =	wrdreg s3  }
0xa9: {  	[dreg:$0x3] =	wrdreg s5  }
0xaa: {  	[dreg:$0x4] =	wrdreg $0xC0  }
0xab: {  	_ =	task [dreg:s7], $0x5FFFF  }
0xac: {  	[dreg:$0x1] =	wrdreg $0xFFFFFFFF  }
0xad: {  	[dreg:$0x0] =	wrdreg $0x60  }
0xae: {  	[dreg:$0x2] =	wrdreg s2  }
0xaf: {  	[dreg:$0x3] =	wrdreg s24  }
0xb0: {  	[dreg:$0x4] =	wrdreg $0x9  }
0xb1: {  	_ =	task.clear_ibuf [dreg:s7], $0x5FFFF;
	_ =	strace $0x90000046  }
0xb2: {  	s29 =	simm.s32 $0x9;
	_ =	strace $0x80000048  }
0xb3: {  	_ =	swait.ge [sflag:s29], $0x1  }
0xb4: {  	[sflag:s29] =	ssyncadd.s32 $0xFFFFFFFF  }
0xb5: {  	_ =	strace $0x90000048  }
0xb6: {  	_ =	sfence  }
0xb7: {  	s30 =	sld [smem:$0x0];
	_ =	sdelay $0x2  }
0xb8: {  	s31 =	sshll.u32 s1, $0xD;
	s1 =	sshrl.u32 s1, $0x2  }
0xb9: {  	s3 =	sand.u32 $0x4000, s31;
	s1 =	sadd.s32 s1, s30  }
0xba: {  	s0 =	sor.u32 s3, s0;
	s1 =	sshll.u32 s1, $0x11  }
0xbb: {  	s0 =	sor.u32 s1, s0  }
0xbc: {  	s0 =	sadd.s32 $0x8F2B, s0  }
0xbd: {  	[sflag:s0] =	ssyncadd.remote.s32 $0x1  }
0xbe: {  	_ =	sfence.sel $0xFFFF  }
0xbf: {  	[dreg:$0x0] =	wrdreg $0xFFFFFFFF;
	(pc) =	sbr.abs _section_cstart, $3  }
0xc0: {  	[dreg:$0x1] =	wrdreg $0xFFFFFFFF  }
0xc1: {  	_ =	task.clear_ibuf [dreg:s7], $0x2FFFF;
	_ =	strace $0x9FFFFFFF  }
0xc2: {  	(tm) =	ssettm $0x7FFFFFFF  }
0xc3: {  	_ =	shalt  }
tec
execute0_lowered:
.L_overlay_start_1:
0x0: {  	(tag) =	ssettag $0x1  }
0x1: {  	s3 =	rddreg [dreg:$0x0]  }
0x2: {  	s14 =	rddreg [dreg:$0x1];
	s2 =	srdreg.scid  }
0x3: {  	s0 =	rddreg [dreg:$0x2];
	s1 =	stileid.u32;
	s15 =	sand.u32 $0x1, s2  }
0x4: {  	s2 =	simm.s32 $0x0;
	s4 =	sshll.u32 s1, $0x7;
	s5 =	sshll.u32 s15, $0x6  }
0x5: {  	[smem:$0x7FF] =	sst s2;
	s16 =	sor.u32 s5, s4  }
0x6: {  	_ =	strace $0x80000047;
	s4 =	sadd.s32 s3, s16;
	s3 =	simm.s32 $0x2  }
0x7: {  	[tilespmem:s2], [sflag:$0x2] =	stream.linear.gather [hbm4b:s4+s2], $0x200, $0x38;
	[tilespmem:$0x400] =	vst v63  }
0x8: {  	_ =	swait.ge [sflag:s3], $0x200  }
0x9: {  	s6 =	simm.s32 $0x80;
	[sflag:s3] =	ssyncset.done $0x0  }
0xa: {  	s7 =	simm.s32 $0x200;
	s5 =	sadd.s32 $0x1A00, s14;
	[sflag:s3] =	ssyncadd.s32 $0xFFFFFE00  }
0xb: {  	[tilespmem:s7], [sflag:$0x1] =	stream.indirect.gather [hbm4b:s5+s6], $0x1, s2, s6, $0xb8;
	[tilespmem:$0x400] =	vst v63  }
0xc: {  	s8 =	simm.s32 $0x280  }
0xd: {  	[tilespmem:s8], [sflag:$0x1] =	stream.indirect.gather [hbm4b:s5+s6], $0x1, s6, s6, $0xb8;
	[tilespmem:$0x400] =	vst v63  }
0xe: {  	s9 =	simm.s32 $0x100;
	s10 =	simm.s32 $0x300  }
0xf: {  	[tilespmem:s10], [sflag:$0x1] =	stream.indirect.gather [hbm4b:s5+s6], $0x1, s9, s6, $0xb8;
	[tilespmem:$0x400] =	vst v63  }
0x10: {  	s11 =	simm.s32 $0x180;
	s12 =	simm.s32 $0x380;
	s13 =	simm.s32 $0x1  }
0x11: {  	[tilespmem:s12], [sflag:$0x1] =	stream.indirect.gather [hbm4b:s5+s6], $0x1, s11, s6, $0xb8;
	[tilespmem:$0x400] =	vst v63  }
0x12: {  	_ =	swait.ge [sflag:s13], $0x80  }
0x13: {  	[sflag:s13] =	ssyncset.done $0x0  }
0x14: {  	[sflag:s13] =	ssyncadd.s32 $0xFFFFFF80  }
0x15: {  	_ =	swait.ge [sflag:s13], $0x80  }
0x16: {  	[sflag:s13] =	ssyncset.done $0x0  }
0x17: {  	s15 =	ssub.s32 $0x2, s15;
	[sflag:s13] =	ssyncadd.s32 $0xFFFFFF80  }
0x18: {  	s17 =	sshrl.u32 s15, $0x1;
	_ =	swait.ge [sflag:s13], $0x80  }
0x19: {  	s15 =	ssub.s32 s15, s17;
	[sflag:s13] =	ssyncset.done $0x0  }
0x1a: {  	s15 =	smax.u32 s15, $0x1;
	[sflag:s13] =	ssyncadd.s32 $0xFFFFFF80  }
0x1b: {  	p0 =	sne.s32 s15, $0x1;
	_ =	swait.ge [sflag:s13], $0x80  }
.Ltmp0:
0x1c: {  	s14 =	sadd.s32 s16, s14;
	[sflag:s13] =	ssyncset.done $0x0;
	(pc) =	sbr.rel @!p0 .LBB2_2-.Ltmp0, $4  }
0x1d: {  	s14 =	sadd.s32 $0x4C00, s14;
	[sflag:s13] =	ssyncadd.s32 $0xFFFFFF80  }
0x1e: {  	[hbm4b:s14+s2] =	stream.linear.scatter [tilespmem:s7], [sflag:$0x2], $0x200, $0x38;
	[tilespmem:$0x400] =	vst v63  }
0x1f: {  	_ =	swait.ge [sflag:s3], $0x200  }
0x20: {  	s15 =	sadd.s32 $0xFFFFFFFF, s15;
	[sflag:s3] =	ssyncset.done $0x0  }
.LBB2_1:
0x21: {  	p0 =	sne.s32 s15, $0x1;
	s15 =	sadd.s32 $0xFFFFFFFF, s15;
	[sflag:s3] =	ssyncadd.s32 $0xFFFFFE00  }
0x22: {  	[tilespmem:s2], [sflag:$0x2] =	stream.linear.gather [hbm4b:s4+s2], $0x200, $0x38;
	[tilespmem:$0x400] =	vst v63  }
0x23: {  	_ =	swait.ge [sflag:s3], $0x200  }
0x24: {  	[sflag:s3] =	ssyncset.done $0x0  }
0x25: {  	[sflag:s3] =	ssyncadd.s32 $0xFFFFFE00  }
0x26: {  	[tilespmem:s7], [sflag:$0x1] =	stream.indirect.gather [hbm4b:s5+s6], $0x1, s2, s6, $0xb8;
	[tilespmem:$0x400] =	vst v63  }
0x27: {  	_ = 	snop  }
0x28: {  	[tilespmem:s8], [sflag:$0x1] =	stream.indirect.gather [hbm4b:s5+s6], $0x1, s6, s6, $0xb8;
	[tilespmem:$0x400] =	vst v63  }
0x29: {  	_ = 	snop  }
0x2a: {  	[tilespmem:s10], [sflag:$0x1] =	stream.indirect.gather [hbm4b:s5+s6], $0x1, s9, s6, $0xb8;
	[tilespmem:$0x400] =	vst v63  }
0x2b: {  	_ = 	snop  }
0x2c: {  	[tilespmem:s12], [sflag:$0x1] =	stream.indirect.gather [hbm4b:s5+s6], $0x1, s11, s6, $0xb8;
	[tilespmem:$0x400] =	vst v63  }
0x2d: {  	_ =	swait.ge [sflag:s13], $0x80  }
0x2e: {  	[sflag:s13] =	ssyncset.done $0x0  }
0x2f: {  	[sflag:s13] =	ssyncadd.s32 $0xFFFFFF80  }
0x30: {  	_ =	swait.ge [sflag:s13], $0x80  }
0x31: {  	[sflag:s13] =	ssyncset.done $0x0  }
0x32: {  	[sflag:s13] =	ssyncadd.s32 $0xFFFFFF80  }
0x33: {  	_ =	swait.ge [sflag:s13], $0x80  }
0x34: {  	[sflag:s13] =	ssyncset.done $0x0  }
0x35: {  	[sflag:s13] =	ssyncadd.s32 $0xFFFFFF80  }
0x36: {  	_ =	swait.ge [sflag:s13], $0x80  }
.Ltmp1:
0x37: {  	[sflag:s13] =	ssyncset.done $0x0;
	(pc) =	sbr.rel @p0 .LBB2_1-.Ltmp1, $4  }
0x38: {  	[sflag:s13] =	ssyncadd.s32 $0xFFFFFF80  }
0x39: {  	[hbm4b:s14+s2] =	stream.linear.scatter [tilespmem:s7], [sflag:$0x2], $0x200, $0x38;
	[tilespmem:$0x400] =	vst v63  }
0x3a: {  	_ =	swait.ge [sflag:s3], $0x200  }
0x3b: {  	[sflag:s3] =	ssyncset.done $0x0  }
.LBB2_2:
0x3c: {  	[sflag:s3] =	ssyncadd.s32 $0xFFFFFE00  }
0x3d: {  	_ =	sfence.sel $0x180000  }
0x3e: {  	[bflag:$0x0] =	sbarrier.arrive $0xFFFF  }
0x3f: {  	p0 =	sne.s32 s1, $0x0;
	_ =	strace $0x90000047  }
0x40: {  	s0 =	sadd.s32 @!p0 $0x100000, s0;
	[bflag:$0x2] =	sbarrier.arrive $0xFFFF  }
0x41: {  	[sflag:s0] =	ssyncadd.tile.s32 @!p0 $0x1;
	_ =	shalt  }
.Lfunc_end2:
_tile_overlayer_lowered:
.L_overlay_start_2:
0x42: {  	(tag) =	ssettag $0x2  }
0x43: {  	s0 =	rddreg [dreg:$0x0];
	s2 =	stileid.u32  }
0x44: {  	s1 =	rddreg [dreg:$0x1];
	p0 =	sne.s32 s2, $0x0  }
0x45: {  	s3 =	rddreg [dreg:$0x2];
	[bflag:$0x3] =	sbarrier.arrive $0xFFFF;
	s2 =	simm.s32 @!p0 $0x1C02  }
0x46: {  	[timem:s3], [sflag:s2] =	dma.local @!p0 [hbm:s0], s1  }
0x47: {  	s0 =	simm.s32 @!p0 $0x2  }
0x48: {  	_ =	swait.ge @!p0 [sflag:s0], s1  }
0x49: {  	s1 =	ssub.s32 @!p0 $0x0, s1;
	[sflag:s0] =	ssyncset.done @!p0 $0x0  }
0x4a: {  	[sflag:s0] =	ssyncadd.s32 @!p0 s1  }
0x4b: {  	[bflag:$0x3] =	sbarrier.arrive $0xFFFF  }
0x4c: {  	_ =	shalt  }

</sc_bundles>
